<compile_context>
chip_gen: v7x
topology: tpu7x:2x2x1
jax: 0.10.2.dev20260603
libtpu: 0.0.44.dev20260713+nightly
codegen_flags: <defaults>
</compile_context>

<pallas_src>
import functools

import jax
import jax.numpy as jnp
import numpy as np
from jax import lax
from jax.experimental import pallas as pl
from jax.experimental.pallas import tpu as pltpu
from jax.experimental.pallas import tpu_sc as plsc

VOCAB_SIZE = 1000000
DIM_MODEL = 64
POSITIONAL_ENCODING_ANGLE_BASE = 10000
POSITIONAL_ENCODING_LENGTH = 2048


def _positional_encoding_np(dim_model, angle_base=POSITIONAL_ENCODING_ANGLE_BASE,
                            length=POSITIONAL_ENCODING_LENGTH):
    depth = dim_model / 2
    positions = np.arange(length)[:, np.newaxis]
    depths = np.arange(depth)[np.newaxis, :]
    angle_rates = 1 / angle_base ** depths
    angle_rads = positions * angle_rates
    return np.concatenate([np.sin(angle_rads), np.cos(angle_rads)],
                          axis=-1).astype(np.float32)


_NW = 32
_LANES = 16
_NBUF = 2
_BBLK = 128
_UNROLL = 8


@functools.partial(jax.jit, static_argnames=("batch", "seq_len"))
def _sc_embed(idx, pe, table, *, batch, seq_len):
    dim = 64
    vregs_per_row = dim // _LANES

    mesh = plsc.VectorSubcoreMesh(core_axis_name="c", subcore_axis_name="s")

    @functools.partial(
        pl.kernel,
        out_type=jax.ShapeDtypeStruct((batch, seq_len, dim), jnp.float32),
        mesh=mesh,
        scratch_types=[
            [pltpu.VMEM((_BBLK,), jnp.int32) for _ in range(_NBUF)],
            [pltpu.VMEM((_BBLK, dim), jnp.float32) for _ in range(_NBUF)],
            [pltpu.VMEM((_BBLK, dim), jnp.float32) for _ in range(_NBUF)],
            pltpu.VMEM((seq_len, dim), jnp.float32),
            [pltpu.SemaphoreType.DMA for _ in range(_NBUF)],
            [pltpu.SemaphoreType.DMA for _ in range(_NBUF)],
        ],
        compiler_params=pltpu.CompilerParams(use_tc_tiling_on_sc=False,
                                             needs_layout_passes=False),
    )
    def body(idx_hbm, pe_hbm, table_hbm, out_hbm,
             ibuf, gbuf, stage, pe_v, gsem, ssem):
        wid = lax.axis_index("s") * 2 + lax.axis_index("c")
        b0 = wid * _BBLK

        pltpu.sync_copy(pe_hbm, pe_v)

        def load_idx(k, b):
            pltpu.sync_copy(
                idx_hbm.at[pl.ds(k * batch + b0, _BBLK)], ibuf[b])

        for b in range(_NBUF):
            load_idx(b, b)
            pltpu.async_copy(table_hbm.at[ibuf[b]], gbuf[b], gsem[b])

        def pair(i, _):
            for b in range(_NBUF):
                s = i * _NBUF + b
                pltpu.make_async_copy(table_hbm.at[ibuf[b]], gbuf[b],
                                      gsem[b]).wait()

                @pl.when(i >= 1)
                def _():
                    pltpu.make_async_copy(
                        stage[b], out_hbm.at[pl.ds(b0, _BBLK), s - _NBUF],
                        ssem[b]).wait()

                pvals = [pe_v[s, pl.ds(c * _LANES, _LANES)]
                         for c in range(vregs_per_row)]

                def fma_rows(r0, _):
                    for u in range(_UNROLL):
                        r = r0 * _UNROLL + u
                        for c in range(vregs_per_row):
                            v = gbuf[b][r, pl.ds(c * _LANES, _LANES)]
                            stage[b][r, pl.ds(c * _LANES, _LANES)] = (
                                v * jnp.float32(8.0) + pvals[c])
                    return 0

                lax.fori_loop(0, _BBLK // _UNROLL, fma_rows, 0)

                @pl.when(s + _NBUF < seq_len)
                def _():
                    load_idx(s + _NBUF, b)
                    pltpu.async_copy(table_hbm.at[ibuf[b]], gbuf[b], gsem[b])

                pltpu.async_copy(stage[b],
                                 out_hbm.at[pl.ds(b0, _BBLK), s],
                                 ssem[b])
            return 0

        lax.fori_loop(0, seq_len // _NBUF, pair, 0)

        for b in range(_NBUF):
            last = seq_len - _NBUF + b
            pltpu.make_async_copy(
                stage[b], out_hbm.at[pl.ds(b0, _BBLK), last],
                ssem[b]).wait()

    return body(idx, pe, table)


_PE_FULL = _positional_encoding_np(DIM_MODEL)


def kernel(x, table):
    batch, seq_len = x.shape
    idx = x.T.reshape(-1).astype(jnp.int32)
    pe = jnp.asarray(_PE_FULL[:seq_len])
    return _sc_embed(idx, pe, table, batch=batch, seq_len=seq_len)

# --- scband reference (transcript-rebuilt; emitter-appended) ---
"""Pipeline reference for scband-positional-embedding-56014963474956 (READ-ONLY COPY).

The authoritative reference and input builder live on the scoring server;
editing this copy changes nothing except your own understanding.
"""

import jax, jax.numpy as jnp
import numpy as np

VOCAB_SIZE = 1000000
DIM_MODEL = 64
POSITIONAL_ENCODING_ANGLE_BASE = 10000
POSITIONAL_ENCODING_LENGTH = 2048


def _positional_encoding(dim_model, angle_base=POSITIONAL_ENCODING_ANGLE_BASE, length=POSITIONAL_ENCODING_LENGTH):
    # Faithful port of the original (note: angle_rates = 1/base**depths, NOT 1/base**(depths/depth))
    depth = dim_model / 2
    positions = np.arange(length)[:, np.newaxis]
    depths = np.arange(depth)[np.newaxis, :]
    angle_rates = 1 / angle_base ** depths
    angle_rads = positions * angle_rates
    encoding = np.concatenate([np.sin(angle_rads), np.cos(angle_rads)], axis=-1)
    return jnp.asarray(encoding, dtype=jnp.float32)


def setup_inputs(seed: int = 0) -> dict:
    key = jax.random.key(seed)
    k_idx, k_tab = jax.random.split(key)
    x = jax.random.randint(k_idx, (4096, 200), 0, VOCAB_SIZE, dtype=jnp.int64 if jax.config.jax_enable_x64 else jnp.int32)
    table = jax.random.normal(k_tab, (VOCAB_SIZE, DIM_MODEL), dtype=jnp.float32) * 0.02
    return {"x": x, "table": table}


def reference(x, table):
    length = x.shape[1]
    pos_enc = _positional_encoding(DIM_MODEL)
    emb = jnp.take(table, x, axis=0)  # embedding lookup (gather)
    emb = emb * jnp.sqrt(jnp.asarray(DIM_MODEL, dtype=jnp.float32))
    emb = emb + pos_enc[jnp.newaxis, :length, :]
    return emb

if __name__ == "__main__":
    import jax
    _d = setup_inputs()
    print(jax.jit(kernel)(*tuple(_d.values())))

</pallas_src>

<mosaic_0001>
#map = affine_map<(d0, d1) -> (0)>
#map1 = affine_map<(d0, d1) -> (0, 0)>
#map2 = affine_map<(d0, d1) -> (0, 0, 0)>
module attributes {stable_mosaic.version = 14 : i64} {
  func.func @body(%arg0: i32, %arg1: i32, %arg2: memref<819200xi32, #tpu.memory_space<hbm>>, %arg3: memref<200x64xf32, #tpu.memory_space<hbm>>, %arg4: memref<1000000x64xf32, #tpu.memory_space<hbm>>, %arg5: memref<4096x200x64xf32, #tpu.memory_space<hbm>>, %arg6: memref<128xi32, #tpu.memory_space<vmem>>, %arg7: memref<128xi32, #tpu.memory_space<vmem>>, %arg8: memref<128x64xf32, #tpu.memory_space<vmem>>, %arg9: memref<128x64xf32, #tpu.memory_space<vmem>>, %arg10: memref<128x64xf32, #tpu.memory_space<vmem>>, %arg11: memref<128x64xf32, #tpu.memory_space<vmem>>, %arg12: memref<200x64xf32, #tpu.memory_space<vmem>>, %arg13: memref<!tpu.dma_semaphore, #tpu.memory_space<semaphore_mem>>, %arg14: memref<!tpu.dma_semaphore, #tpu.memory_space<semaphore_mem>>, %arg15: memref<!tpu.dma_semaphore, #tpu.memory_space<semaphore_mem>>, %arg16: memref<!tpu.dma_semaphore, #tpu.memory_space<semaphore_mem>>) attributes {dimension_semantics = [#tpu.dimension_semantics<core_parallel>, #tpu.dimension_semantics<subcore_parallel>], iteration_bounds = array<i64: 2, 16>, scalar_prefetch = 0 : i64, scratch_operands = 11 : i64, tpu.core_type = #tpu.core_type<sc_vector_subcore>, window_params = [{transform_indices = #map}, {transform_indices = #map1}, {transform_indices = #map1}, {transform_indices = #map2}]} {
    %mul3A = arith.constant 2 : i32
    %mul3A_0 = arith.muli %arg1, %mul3A : i32
    %add3A = arith.addi %mul3A_0, %arg0 : i32
    %mul3A_1 = arith.constant 128 : i32
    %mul3A_2 = arith.muli %add3A, %mul3A_1 : i32
    "tpu.region"() ({
      %run_scoped3A = tpu.sem_alloc : memref<!tpu.dma_semaphore, #tpu.memory_space<semaphore_mem>>
      tpu.enqueue_dma source(%arg3 : memref<200x64xf32, #tpu.memory_space<hbm>>) target(%arg12 : memref<200x64xf32, #tpu.memory_space<vmem>>) target_semaphore(%run_scoped3A : memref<!tpu.dma_semaphore, #tpu.memory_space<semaphore_mem>>)
      tpu.wait_dma2 semaphore(%run_scoped3A : memref<!tpu.dma_semaphore, #tpu.memory_space<semaphore_mem>>) src(%arg3 : memref<200x64xf32, #tpu.memory_space<hbm>>) dst(%arg12 : memref<200x64xf32, #tpu.memory_space<vmem>>)
      tpu.yield
    }) : () -> ()
    %add3A_3 = arith.constant 0 : i32
    %add3A_4 = arith.addi %add3A_3, %mul3A_2 : i32
    "tpu.region"() ({
      %run_scoped3A = tpu.sem_alloc : memref<!tpu.dma_semaphore, #tpu.memory_space<semaphore_mem>>
      %dma_start3A_31 = tpu.memref_slice %arg2[%add3A_4] : memref<819200xi32, #tpu.memory_space<hbm>> -> memref<128xi32, #tpu.memory_space<hbm>>
      %dma_start3A_32 = tpu.memref_slice %arg2[%add3A_4] : memref<819200xi32, #tpu.memory_space<hbm>> -> memref<128xi32, #tpu.memory_space<hbm>>
      tpu.enqueue_dma source(%dma_start3A_32 : memref<128xi32, #tpu.memory_space<hbm>>) target(%arg6 : memref<128xi32, #tpu.memory_space<vmem>>) target_semaphore(%run_scoped3A : memref<!tpu.dma_semaphore, #tpu.memory_space<semaphore_mem>>)
      %dma_wait3A_33 = tpu.memref_slice %arg2[%add3A_4] : memref<819200xi32, #tpu.memory_space<hbm>> -> memref<128xi32, #tpu.memory_space<hbm>>
      %dma_wait3A_34 = tpu.memref_slice %arg2[%add3A_4] : memref<819200xi32, #tpu.memory_space<hbm>> -> memref<128xi32, #tpu.memory_space<hbm>>
      tpu.wait_dma2 semaphore(%run_scoped3A : memref<!tpu.dma_semaphore, #tpu.memory_space<semaphore_mem>>) src(%dma_wait3A_34 : memref<128xi32, #tpu.memory_space<hbm>>) dst(%arg6 : memref<128xi32, #tpu.memory_space<vmem>>)
      tpu.yield
    }) : () -> ()
    %dma_start3A = arith.constant 0 : i32
    %dma_start3A_5 = arith.constant 0 : i32
    %dma_start3A_6 = tpu.memref_slice %arg4[%dma_start3A, %dma_start3A_5] : memref<1000000x64xf32, #tpu.memory_space<hbm>> -> memref<1000000x64xf32, #tpu.memory_space<hbm>>
    tpu.enqueue_indirect_dma source(%dma_start3A_6 : memref<1000000x64xf32, #tpu.memory_space<hbm>>) target(%arg8 : memref<128x64xf32, #tpu.memory_space<vmem>>) offsets(%arg6 : memref<128xi32, #tpu.memory_space<vmem>>) semaphore(%arg13 : memref<!tpu.dma_semaphore, #tpu.memory_space<semaphore_mem>>)
    %add3A_7 = arith.constant 4096 : i32
    %add3A_8 = arith.addi %add3A_7, %mul3A_2 : i32
    "tpu.region"() ({
      %run_scoped3A = tpu.sem_alloc : memref<!tpu.dma_semaphore, #tpu.memory_space<semaphore_mem>>
      %dma_start3A_31 = tpu.memref_slice %arg2[%add3A_8] : memref<819200xi32, #tpu.memory_space<hbm>> -> memref<128xi32, #tpu.memory_space<hbm>>
      %dma_start3A_32 = tpu.memref_slice %arg2[%add3A_8] : memref<819200xi32, #tpu.memory_space<hbm>> -> memref<128xi32, #tpu.memory_space<hbm>>
      tpu.enqueue_dma source(%dma_start3A_32 : memref<128xi32, #tpu.memory_space<hbm>>) target(%arg7 : memref<128xi32, #tpu.memory_space<vmem>>) target_semaphore(%run_scoped3A : memref<!tpu.dma_semaphore, #tpu.memory_space<semaphore_mem>>)
      %dma_wait3A_33 = tpu.memref_slice %arg2[%add3A_8] : memref<819200xi32, #tpu.memory_space<hbm>> -> memref<128xi32, #tpu.memory_space<hbm>>
      %dma_wait3A_34 = tpu.memref_slice %arg2[%add3A_8] : memref<819200xi32, #tpu.memory_space<hbm>> -> memref<128xi32, #tpu.memory_space<hbm>>
      tpu.wait_dma2 semaphore(%run_scoped3A : memref<!tpu.dma_semaphore, #tpu.memory_space<semaphore_mem>>) src(%dma_wait3A_34 : memref<128xi32, #tpu.memory_space<hbm>>) dst(%arg7 : memref<128xi32, #tpu.memory_space<vmem>>)
      tpu.yield
    }) : () -> ()
    %dma_start3A_9 = arith.constant 0 : i32
    %dma_start3A_10 = arith.constant 0 : i32
    %dma_start3A_11 = tpu.memref_slice %arg4[%dma_start3A_9, %dma_start3A_10] : memref<1000000x64xf32, #tpu.memory_space<hbm>> -> memref<1000000x64xf32, #tpu.memory_space<hbm>>
    tpu.enqueue_indirect_dma source(%dma_start3A_11 : memref<1000000x64xf32, #tpu.memory_space<hbm>>) target(%arg9 : memref<128x64xf32, #tpu.memory_space<vmem>>) offsets(%arg7 : memref<128xi32, #tpu.memory_space<vmem>>) semaphore(%arg14 : memref<!tpu.dma_semaphore, #tpu.memory_space<semaphore_mem>>)
    %scan3A = arith.constant 0 : i32
    %scan3A_12 = arith.constant 0 : i32
    %scan3A_13 = arith.constant 100 : i32
    %scan3A_14 = arith.addi %scan3A_12, %scan3A_13 : i32
    %scan3A_15 = arith.constant 1 : i32
    %scan3A_16 = scf.for %scan3A_31 = %scan3A_12 to %scan3A_14 step %scan3A_15 iter_args(%scan3A_32 = %scan3A) -> (i32)  : i32 {
      %mul3A_33 = arith.constant 2 : i32
      %mul3A_34 = arith.muli %scan3A_31, %mul3A_33 : i32
      %add3A_35 = arith.constant 0 : i32
      %add3A_36 = arith.addi %mul3A_34, %add3A_35 : i32
      %dma_wait3A_37 = arith.constant 0 : i32
      %dma_wait3A_38 = arith.constant 0 : i32
      %dma_wait3A_39 = tpu.memref_slice %arg4[%dma_wait3A_37, %dma_wait3A_38] : memref<1000000x64xf32, #tpu.memory_space<hbm>> -> memref<1000000x64xf32, #tpu.memory_space<hbm>>
      tpu.wait_indirect_dma semaphore(%arg13 : memref<!tpu.dma_semaphore, #tpu.memory_space<semaphore_mem>>) src(%dma_wait3A_39 : memref<1000000x64xf32, #tpu.memory_space<hbm>>) dst(%arg8 : memref<128x64xf32, #tpu.memory_space<vmem>>)
      %ge3A = arith.constant 1 : i32
      %ge3A_40 = arith.cmpi sge, %scan3A_31, %ge3A : i32
      %convert_element_type3A = arith.extui %ge3A_40 : i1 to i32
      %cond3A = arith.constant 0 : i32
      %cond3A_41 = arith.cmpi ne, %convert_element_type3A, %cond3A : i32
      scf.if %cond3A_41 {
        %sub3A = arith.constant 2 : i32
        %sub3A_117 = arith.subi %add3A_36, %sub3A : i32
        %dma_wait3A_118 = arith.constant 0 : i32
        %dma_wait3A_119 = tpu.memref_slice %arg5[%mul3A_2, %sub3A_117, %dma_wait3A_118] : memref<4096x200x64xf32, #tpu.memory_space<hbm>> -> memref<128x1x64xf32, #tpu.memory_space<hbm>>
        %dma_wait3A_120 = tpu.memref_squeeze %dma_wait3A_119 : memref<128x1x64xf32, #tpu.memory_space<hbm>> -> memref<128x64xf32, #tpu.memory_space<hbm>>
        %dma_wait3A_121 = arith.constant 0 : i32
        %dma_wait3A_122 = tpu.memref_slice %arg5[%mul3A_2, %sub3A_117, %dma_wait3A_121] : memref<4096x200x64xf32, #tpu.memory_space<hbm>> -> memref<128x1x64xf32, #tpu.memory_space<hbm>>
        %dma_wait3A_123 = tpu.memref_squeeze %dma_wait3A_122 : memref<128x1x64xf32, #tpu.memory_space<hbm>> -> memref<128x64xf32, #tpu.memory_space<hbm>>
        tpu.wait_dma2 semaphore(%arg15 : memref<!tpu.dma_semaphore, #tpu.memory_space<semaphore_mem>>) src(%arg10 : memref<128x64xf32, #tpu.memory_space<vmem>>) dst(%dma_wait3A_123 : memref<128x64xf32, #tpu.memory_space<hbm>>)
      } else {
      }
      %get3A = arith.index_cast %add3A_36 : i32 to index
      %get3A_42 = arith.constant 0 : index
      %get3A_43 = tpu.vector_load %arg12[%get3A, %get3A_42] {strides = array<i32>} : memref<200x64xf32, #tpu.memory_space<vmem>>, vector<16xf32>,
      %get3A_44 = arith.index_cast %add3A_36 : i32 to index
      %get3A_45 = arith.constant 16 : index
      %get3A_46 = tpu.vector_load %arg12[%get3A_44, %get3A_45] {strides = array<i32>} : memref<200x64xf32, #tpu.memory_space<vmem>>, vector<16xf32>,
      %get3A_47 = arith.index_cast %add3A_36 : i32 to index
      %get3A_48 = arith.constant 32 : index
      %get3A_49 = tpu.vector_load %arg12[%get3A_47, %get3A_48] {strides = array<i32>} : memref<200x64xf32, #tpu.memory_space<vmem>>, vector<16xf32>,
      %get3A_50 = arith.index_cast %add3A_36 : i32 to index
      %get3A_51 = arith.constant 48 : index
      %get3A_52 = tpu.vector_load %arg12[%get3A_50, %get3A_51] {strides = array<i32>} : memref<200x64xf32, #tpu.memory_space<vmem>>, vector<16xf32>,
      %scan3A_53 = arith.constant 0 : i32
      %scan3A_54 = arith.constant 0 : i32
      %scan3A_55 = arith.constant 16 : i32
      %scan3A_56 = arith.addi %scan3A_54, %scan3A_55 : i32
      %scan3A_57 = arith.constant 1 : i32
      %scan3A_58 = scf.for %scan3A_117 = %scan3A_54 to %scan3A_56 step %scan3A_57 iter_args(%scan3A_118 = %scan3A_53) -> (i32)  : i32 {
        %mul3A_119 = arith.constant 8 : i32
        %mul3A_120 = arith.muli %scan3A_117, %mul3A_119 : i32
        %add3A_121 = arith.constant 0 : i32
        %add3A_122 = arith.addi %mul3A_120, %add3A_121 : i32
        %get3A_123 = arith.index_cast %add3A_122 : i32 to index
        %get3A_124 = arith.constant 0 : index
        %get3A_125 = tpu.vector_load %arg8[%get3A_123, %get3A_124] {strides = array<i32>} : memref<128x64xf32, #tpu.memory_space<vmem>>, vector<16xf32>,
        %mul3A_126 = arith.constant 8.000000e+00 : f32
        %mul3A_127 = vector.broadcast %mul3A_126 : f32 to vector<16xf32>
        %mul3A_128 = arith.mulf %get3A_125, %mul3A_127 : vector<16xf32>
        %add3A_129 = arith.addf %mul3A_128, %get3A_43 : vector<16xf32>
        %swap3A = arith.index_cast %add3A_122 : i32 to index
        %swap3A_130 = arith.constant 0 : index
        %swap3A_131 = tpu.vector_load %arg10[%swap3A, %swap3A_130] {strides = array<i32>} : memref<128x64xf32, #tpu.memory_space<vmem>>, vector<16xf32>,
        tpu.vector_store %arg10[%swap3A, %swap3A_130], %add3A_129 {strides = array<i32>} : memref<128x64xf32, #tpu.memory_space<vmem>>, vector<16xf32>,
        %get3A_132 = arith.index_cast %add3A_122 : i32 to index
        %get3A_133 = arith.constant 16 : index
        %get3A_134 = tpu.vector_load %arg8[%get3A_132, %get3A_133] {strides = array<i32>} : memref<128x64xf32, #tpu.memory_space<vmem>>, vector<16xf32>,
        %mul3A_135 = arith.constant 8.000000e+00 : f32
        %mul3A_136 = vector.broadcast %mul3A_135 : f32 to vector<16xf32>
        %mul3A_137 = arith.mulf %get3A_134, %mul3A_136 : vector<16xf32>
        %add3A_138 = arith.addf %mul3A_137, %get3A_46 : vector<16xf32>
        %swap3A_139 = arith.index_cast %add3A_122 : i32 to index
        %swap3A_140 = arith.constant 16 : index
        %swap3A_141 = tpu.vector_load %arg10[%swap3A_139, %swap3A_140] {strides = array<i32>} : memref<128x64xf32, #tpu.memory_space<vmem>>, vector<16xf32>,
        tpu.vector_store %arg10[%swap3A_139, %swap3A_140], %add3A_138 {strides = array<i32>} : memref<128x64xf32, #tpu.memory_space<vmem>>, vector<16xf32>,
        %get3A_142 = arith.index_cast %add3A_122 : i32 to index
        %get3A_143 = arith.constant 32 : index
        %get3A_144 = tpu.vector_load %arg8[%get3A_142, %get3A_143] {strides = array<i32>} : memref<128x64xf32, #tpu.memory_space<vmem>>, vector<16xf32>,
        %mul3A_145 = arith.constant 8.000000e+00 : f32
        %mul3A_146 = vector.broadcast %mul3A_145 : f32 to vector<16xf32>
        %mul3A_147 = arith.mulf %get3A_144, %mul3A_146 : vector<16xf32>
        %add3A_148 = arith.addf %mul3A_147, %get3A_49 : vector<16xf32>
        %swap3A_149 = arith.index_cast %add3A_122 : i32 to index
        %swap3A_150 = arith.constant 32 : index
        %swap3A_151 = tpu.vector_load %arg10[%swap3A_149, %swap3A_150] {strides = array<i32>} : memref<128x64xf32, #tpu.memory_space<vmem>>, vector<16xf32>,
        tpu.vector_store %arg10[%swap3A_149, %swap3A_150], %add3A_148 {strides = array<i32>} : memref<128x64xf32, #tpu.memory_space<vmem>>, vector<16xf32>,
        %get3A_152 = arith.index_cast %add3A_122 : i32 to index
        %get3A_153 = arith.constant 48 : index
        %get3A_154 = tpu.vector_load %arg8[%get3A_152, %get3A_153] {strides = array<i32>} : memref<128x64xf32, #tpu.memory_space<vmem>>, vector<16xf32>,
        %mul3A_155 = arith.constant 8.000000e+00 : f32
        %mul3A_156 = vector.broadcast %mul3A_155 : f32 to vector<16xf32>
        %mul3A_157 = arith.mulf %get3A_154, %mul3A_156 : vector<16xf32>
        %add3A_158 = arith.addf %mul3A_157, %get3A_52 : vector<16xf32>
        %swap3A_159 = arith.index_cast %add3A_122 : i32 to index
        %swap3A_160 = arith.constant 48 : index
        %swap3A_161 = tpu.vector_load %arg10[%swap3A_159, %swap3A_160] {strides = array<i32>} : memref<128x64xf32, #tpu.memory_space<vmem>>, vector<16xf32>,
        tpu.vector_store %arg10[%swap3A_159, %swap3A_160], %add3A_158 {strides = array<i32>} : memref<128x64xf32, #tpu.memory_space<vmem>>, vector<16xf32>,
        %mul3A_162 = arith.constant 8 : i32
        %mul3A_163 = arith.muli %scan3A_117, %mul3A_162 : i32
        %add3A_164 = arith.constant 1 : i32
        %add3A_165 = arith.addi %mul3A_163, %add3A_164 : i32
        %get3A_166 = arith.index_cast %add3A_165 : i32 to index
        %get3A_167 = arith.constant 0 : index
        %get3A_168 = tpu.vector_load %arg8[%get3A_166, %get3A_167] {strides = array<i32>} : memref<128x64xf32, #tpu.memory_space<vmem>>, vector<16xf32>,
        %mul3A_169 = arith.constant 8.000000e+00 : f32
        %mul3A_170 = vector.broadcast %mul3A_169 : f32 to vector<16xf32>
        %mul3A_171 = arith.mulf %get3A_168, %mul3A_170 : vector<16xf32>
        %add3A_172 = arith.addf %mul3A_171, %get3A_43 : vector<16xf32>
        %swap3A_173 = arith.index_cast %add3A_165 : i32 to index
        %swap3A_174 = arith.constant 0 : index
        %swap3A_175 = tpu.vector_load %arg10[%swap3A_173, %swap3A_174] {strides = array<i32>} : memref<128x64xf32, #tpu.memory_space<vmem>>, vector<16xf32>,
        tpu.vector_store %arg10[%swap3A_173, %swap3A_174], %add3A_172 {strides = array<i32>} : memref<128x64xf32, #tpu.memory_space<vmem>>, vector<16xf32>,
        %get3A_176 = arith.index_cast %add3A_165 : i32 to index
        %get3A_177 = arith.constant 16 : index
        %get3A_178 = tpu.vector_load %arg8[%get3A_176, %get3A_177] {strides = array<i32>} : memref<128x64xf32, #tpu.memory_space<vmem>>, vector<16xf32>,
        %mul3A_179 = arith.constant 8.000000e+00 : f32
        %mul3A_180 = vector.broadcast %mul3A_179 : f32 to vector<16xf32>
        %mul3A_181 = arith.mulf %get3A_178, %mul3A_180 : vector<16xf32>
        %add3A_182 = arith.addf %mul3A_181, %get3A_46 : vector<16xf32>
        %swap3A_183 = arith.index_cast %add3A_165 : i32 to index
        %swap3A_184 = arith.constant 16 : index
        %swap3A_185 = tpu.vector_load %arg10[%swap3A_183, %swap3A_184] {strides = array<i32>} : memref<128x64xf32, #tpu.memory_space<vmem>>, vector<16xf32>,
        tpu.vector_store %arg10[%swap3A_183, %swap3A_184], %add3A_182 {strides = array<i32>} : memref<128x64xf32, #tpu.memory_space<vmem>>, vector<16xf32>,
        %get3A_186 = arith.index_cast %add3A_165 : i32 to index
        %get3A_187 = arith.constant 32 : index
        %get3A_188 = tpu.vector_load %arg8[%get3A_186, %get3A_187] {strides = array<i32>} : memref<128x64xf32, #tpu.memory_space<vmem>>, vector<16xf32>,
        %mul3A_189 = arith.constant 8.000000e+00 : f32
        %mul3A_190 = vector.broadcast %mul3A_189 : f32 to vector<16xf32>
        %mul3A_191 = arith.mulf %get3A_188, %mul3A_190 : vector<16xf32>
        %add3A_192 = arith.addf %mul3A_191, %get3A_49 : vector<16xf32>
        %swap3A_193 = arith.index_cast %add3A_165 : i32 to index
        %swap3A_194 = arith.constant 32 : index
        %swap3A_195 = tpu.vector_load %arg10[%swap3A_193, %swap3A_194] {strides = array<i32>} : memref<128x64xf32, #tpu.memory_space<vmem>>, vector<16xf32>,
        tpu.vector_store %arg10[%swap3A_193, %swap3A_194], %add3A_192 {strides = array<i32>} : memref<128x64xf32, #tpu.memory_space<vmem>>, vector<16xf32>,
        %get3A_196 = arith.index_cast %add3A_165 : i32 to index
        %get3A_197 = arith.constant 48 : index
        %get3A_198 = tpu.vector_load %arg8[%get3A_196, %get3A_197] {strides = array<i32>} : memref<128x64xf32, #tpu.memory_space<vmem>>, vector<16xf32>,
        %mul3A_199 = arith.constant 8.000000e+00 : f32
        %mul3A_200 = vector.broadcast %mul3A_199 : f32 to vector<16xf32>
        %mul3A_201 = arith.mulf %get3A_198, %mul3A_200 : vector<16xf32>
        %add3A_202 = arith.addf %mul3A_201, %get3A_52 : vector<16xf32>
        %swap3A_203 = arith.index_cast %add3A_165 : i32 to index
        %swap3A_204 = arith.constant 48 : index
        %swap3A_205 = tpu.vector_load %arg10[%swap3A_203, %swap3A_204] {strides = array<i32>} : memref<128x64xf32, #tpu.memory_space<vmem>>, vector<16xf32>,
        tpu.vector_store %arg10[%swap3A_203, %swap3A_204], %add3A_202 {strides = array<i32>} : memref<128x64xf32, #tpu.memory_space<vmem>>, vector<16xf32>,
        %mul3A_206 = arith.constant 8 : i32
        %mul3A_207 = arith.muli %scan3A_117, %mul3A_206 : i32
        %add3A_208 = arith.constant 2 : i32
        %add3A_209 = arith.addi %mul3A_207, %add3A_208 : i32
        %get3A_210 = arith.index_cast %add3A_209 : i32 to index
        %get3A_211 = arith.constant 0 : index
        %get3A_212 = tpu.vector_load %arg8[%get3A_210, %get3A_211] {strides = array<i32>} : memref<128x64xf32, #tpu.memory_space<vmem>>, vector<16xf32>,
        %mul3A_213 = arith.constant 8.000000e+00 : f32
        %mul3A_214 = vector.broadcast %mul3A_213 : f32 to vector<16xf32>
        %mul3A_215 = arith.mulf %get3A_212, %mul3A_214 : vector<16xf32>
        %add3A_216 = arith.addf %mul3A_215, %get3A_43 : vector<16xf32>
        %swap3A_217 = arith.index_cast %add3A_209 : i32 to index
        %swap3A_218 = arith.constant 0 : index
        %swap3A_219 = tpu.vector_load %arg10[%swap3A_217, %swap3A_218] {strides = array<i32>} : memref<128x64xf32, #tpu.memory_space<vmem>>, vector<16xf32>,
        tpu.vector_store %arg10[%swap3A_217, %swap3A_218], %add3A_216 {strides = array<i32>} : memref<128x64xf32, #tpu.memory_space<vmem>>, vector<16xf32>,
        %get3A_220 = arith.index_cast %add3A_209 : i32 to index
        %get3A_221 = arith.constant 16 : index
        %get3A_222 = tpu.vector_load %arg8[%get3A_220, %get3A_221] {strides = array<i32>} : memref<128x64xf32, #tpu.memory_space<vmem>>, vector<16xf32>,
        %mul3A_223 = arith.constant 8.000000e+00 : f32
        %mul3A_224 = vector.broadcast %mul3A_223 : f32 to vector<16xf32>
        %mul3A_225 = arith.mulf %get3A_222, %mul3A_224 : vector<16xf32>
        %add3A_226 = arith.addf %mul3A_225, %get3A_46 : vector<16xf32>
        %swap3A_227 = arith.index_cast %add3A_209 : i32 to index
        %swap3A_228 = arith.constant 16 : index
        %swap3A_229 = tpu.vector_load %arg10[%swap3A_227, %swap3A_228] {strides = array<i32>} : memref<128x64xf32, #tpu.memory_space<vmem>>, vector<16xf32>,
        tpu.vector_store %arg10[%swap3A_227, %swap3A_228], %add3A_226 {strides = array<i32>} : memref<128x64xf32, #tpu.memory_space<vmem>>, vector<16xf32>,
        %get3A_230 = arith.index_cast %add3A_209 : i32 to index
        %get3A_231 = arith.constant 32 : index
        %get3A_232 = tpu.vector_load %arg8[%get3A_230, %get3A_231] {strides = array<i32>} : memref<128x64xf32, #tpu.memory_space<vmem>>, vector<16xf32>,
        %mul3A_233 = arith.constant 8.000000e+00 : f32
        %mul3A_234 = vector.broadcast %mul3A_233 : f32 to vector<16xf32>
        %mul3A_235 = arith.mulf %get3A_232, %mul3A_234 : vector<16xf32>
        %add3A_236 = arith.addf %mul3A_235, %get3A_49 : vector<16xf32>
        %swap3A_237 = arith.index_cast %add3A_209 : i32 to index
        %swap3A_238 = arith.constant 32 : index
        %swap3A_239 = tpu.vector_load %arg10[%swap3A_237, %swap3A_238] {strides = array<i32>} : memref<128x64xf32, #tpu.memory_space<vmem>>, vector<16xf32>,
        tpu.vector_store %arg10[%swap3A_237, %swap3A_238], %add3A_236 {strides = array<i32>} : memref<128x64xf32, #tpu.memory_space<vmem>>, vector<16xf32>,
        %get3A_240 = arith.index_cast %add3A_209 : i32 to index
        %get3A_241 = arith.constant 48 : index
        %get3A_242 = tpu.vector_load %arg8[%get3A_240, %get3A_241] {strides = array<i32>} : memref<128x64xf32, #tpu.memory_space<vmem>>, vector<16xf32>,
        %mul3A_243 = arith.constant 8.000000e+00 : f32
        %mul3A_244 = vector.broadcast %mul3A_243 : f32 to vector<16xf32>
        %mul3A_245 = arith.mulf %get3A_242, %mul3A_244 : vector<16xf32>
        %add3A_246 = arith.addf %mul3A_245, %get3A_52 : vector<16xf32>
        %swap3A_247 = arith.index_cast %add3A_209 : i32 to index
        %swap3A_248 = arith.constant 48 : index
        %swap3A_249 = tpu.vector_load %arg10[%swap3A_247, %swap3A_248] {strides = array<i32>} : memref<128x64xf32, #tpu.memory_space<vmem>>, vector<16xf32>,
        tpu.vector_store %arg10[%swap3A_247, %swap3A_248], %add3A_246 {strides = array<i32>} : memref<128x64xf32, #tpu.memory_space<vmem>>, vector<16xf32>,
        %mul3A_250 = arith.constant 8 : i32
        %mul3A_251 = arith.muli %scan3A_117, %mul3A_250 : i32
        %add3A_252 = arith.constant 3 : i32
        %add3A_253 = arith.addi %mul3A_251, %add3A_252 : i32
        %get3A_254 = arith.index_cast %add3A_253 : i32 to index
        %get3A_255 = arith.constant 0 : index
        %get3A_256 = tpu.vector_load %arg8[%get3A_254, %get3A_255] {strides = array<i32>} : memref<128x64xf32, #tpu.memory_space<vmem>>, vector<16xf32>,
        %mul3A_257 = arith.constant 8.000000e+00 : f32
        %mul3A_258 = vector.broadcast %mul3A_257 : f32 to vector<16xf32>
        %mul3A_259 = arith.mulf %get3A_256, %mul3A_258 : vector<16xf32>
        %add3A_260 = arith.addf %mul3A_259, %get3A_43 : vector<16xf32>
        %swap3A_261 = arith.index_cast %add3A_253 : i32 to index
        %swap3A_262 = arith.constant 0 : index
        %swap3A_263 = tpu.vector_load %arg10[%swap3A_261, %swap3A_262] {strides = array<i32>} : memref<128x64xf32, #tpu.memory_space<vmem>>, vector<16xf32>,
        tpu.vector_store %arg10[%swap3A_261, %swap3A_262], %add3A_260 {strides = array<i32>} : memref<128x64xf32, #tpu.memory_space<vmem>>, vector<16xf32>,
        %get3A_264 = arith.index_cast %add3A_253 : i32 to index
        %get3A_265 = arith.constant 16 : index
        %get3A_266 = tpu.vector_load %arg8[%get3A_264, %get3A_265] {strides = array<i32>} : memref<128x64xf32, #tpu.memory_space<vmem>>, vector<16xf32>,
        %mul3A_267 = arith.constant 8.000000e+00 : f32
        %mul3A_268 = vector.broadcast %mul3A_267 : f32 to vector<16xf32>
        %mul3A_269 = arith.mulf %get3A_266, %mul3A_268 : vector<16xf32>
        %add3A_270 = arith.addf %mul3A_269, %get3A_46 : vector<16xf32>
        %swap3A_271 = arith.index_cast %add3A_253 : i32 to index
        %swap3A_272 = arith.constant 16 : index
        %swap3A_273 = tpu.vector_load %arg10[%swap3A_271, %swap3A_272] {strides = array<i32>} : memref<128x64xf32, #tpu.memory_space<vmem>>, vector<16xf32>,
        tpu.vector_store %arg10[%swap3A_271, %swap3A_272], %add3A_270 {strides = array<i32>} : memref<128x64xf32, #tpu.memory_space<vmem>>, vector<16xf32>,
        %get3A_274 = arith.index_cast %add3A_253 : i32 to index
        %get3A_275 = arith.constant 32 : index
        %get3A_276 = tpu.vector_load %arg8[%get3A_274, %get3A_275] {strides = array<i32>} : memref<128x64xf32, #tpu.memory_space<vmem>>, vector<16xf32>,
        %mul3A_277 = arith.constant 8.000000e+00 : f32
        %mul3A_278 = vector.broadcast %mul3A_277 : f32 to vector<16xf32>
        %mul3A_279 = arith.mulf %get3A_276, %mul3A_278 : vector<16xf32>
        %add3A_280 = arith.addf %mul3A_279, %get3A_49 : vector<16xf32>
        %swap3A_281 = arith.index_cast %add3A_253 : i32 to index
        %swap3A_282 = arith.constant 32 : index
        %swap3A_283 = tpu.vector_load %arg10[%swap3A_281, %swap3A_282] {strides = array<i32>} : memref<128x64xf32, #tpu.memory_space<vmem>>, vector<16xf32>,
        tpu.vector_store %arg10[%swap3A_281, %swap3A_282], %add3A_280 {strides = array<i32>} : memref<128x64xf32, #tpu.memory_space<vmem>>, vector<16xf32>,
        %get3A_284 = arith.index_cast %add3A_253 : i32 to index
        %get3A_285 = arith.constant 48 : index
        %get3A_286 = tpu.vector_load %arg8[%get3A_284, %get3A_285] {strides = array<i32>} : memref<128x64xf32, #tpu.memory_space<vmem>>, vector<16xf32>,
        %mul3A_287 = arith.constant 8.000000e+00 : f32
        %mul3A_288 = vector.broadcast %mul3A_287 : f32 to vector<16xf32>
        %mul3A_289 = arith.mulf %get3A_286, %mul3A_288 : vector<16xf32>
        %add3A_290 = arith.addf %mul3A_289, %get3A_52 : vector<16xf32>
        %swap3A_291 = arith.index_cast %add3A_253 : i32 to index
        %swap3A_292 = arith.constant 48 : index
        %swap3A_293 = tpu.vector_load %arg10[%swap3A_291, %swap3A_292] {strides = array<i32>} : memref<128x64xf32, #tpu.memory_space<vmem>>, vector<16xf32>,
        tpu.vector_store %arg10[%swap3A_291, %swap3A_292], %add3A_290 {strides = array<i32>} : memref<128x64xf32, #tpu.memory_space<vmem>>, vector<16xf32>,
        %mul3A_294 = arith.constant 8 : i32
        %mul3A_295 = arith.muli %scan3A_117, %mul3A_294 : i32
        %add3A_296 = arith.constant 4 : i32
        %add3A_297 = arith.addi %mul3A_295, %add3A_296 : i32
        %get3A_298 = arith.index_cast %add3A_297 : i32 to index
        %get3A_299 = arith.constant 0 : index
        %get3A_300 = tpu.vector_load %arg8[%get3A_298, %get3A_299] {strides = array<i32>} : memref<128x64xf32, #tpu.memory_space<vmem>>, vector<16xf32>,
        %mul3A_301 = arith.constant 8.000000e+00 : f32
        %mul3A_302 = vector.broadcast %mul3A_301 : f32 to vector<16xf32>
        %mul3A_303 = arith.mulf %get3A_300, %mul3A_302 : vector<16xf32>
        %add3A_304 = arith.addf %mul3A_303, %get3A_43 : vector<16xf32>
        %swap3A_305 = arith.index_cast %add3A_297 : i32 to index
        %swap3A_306 = arith.constant 0 : index
        %swap3A_307 = tpu.vector_load %arg10[%swap3A_305, %swap3A_306] {strides = array<i32>} : memref<128x64xf32, #tpu.memory_space<vmem>>, vector<16xf32>,
        tpu.vector_store %arg10[%swap3A_305, %swap3A_306], %add3A_304 {strides = array<i32>} : memref<128x64xf32, #tpu.memory_space<vmem>>, vector<16xf32>,
        %get3A_308 = arith.index_cast %add3A_297 : i32 to index
        %get3A_309 = arith.constant 16 : index
        %get3A_310 = tpu.vector_load %arg8[%get3A_308, %get3A_309] {strides = array<i32>} : memref<128x64xf32, #tpu.memory_space<vmem>>, vector<16xf32>,
        %mul3A_311 = arith.constant 8.000000e+00 : f32
        %mul3A_312 = vector.broadcast %mul3A_311 : f32 to vector<16xf32>
        %mul3A_313 = arith.mulf %get3A_310, %mul3A_312 : vector<16xf32>
        %add3A_314 = arith.addf %mul3A_313, %get3A_46 : vector<16xf32>
        %swap3A_315 = arith.index_cast %add3A_297 : i32 to index
        %swap3A_316 = arith.constant 16 : index
        %swap3A_317 = tpu.vector_load %arg10[%swap3A_315, %swap3A_316] {strides = array<i32>} : memref<128x64xf32, #tpu.memory_space<vmem>>, vector<16xf32>,
        tpu.vector_store %arg10[%swap3A_315, %swap3A_316], %add3A_314 {strides = array<i32>} : memref<128x64xf32, #tpu.memory_space<vmem>>, vector<16xf32>,
        %get3A_318 = arith.index_cast %add3A_297 : i32 to index
        %get3A_319 = arith.constant 32 : index
        %get3A_320 = tpu.vector_load %arg8[%get3A_318, %get3A_319] {strides = array<i32>} : memref<128x64xf32, #tpu.memory_space<vmem>>, vector<16xf32>,
        %mul3A_321 = arith.constant 8.000000e+00 : f32
        %mul3A_322 = vector.broadcast %mul3A_321 : f32 to vector<16xf32>
        %mul3A_323 = arith.mulf %get3A_320, %mul3A_322 : vector<16xf32>
        %add3A_324 = arith.addf %mul3A_323, %get3A_49 : vector<16xf32>
        %swap3A_325 = arith.index_cast %add3A_297 : i32 to index
        %swap3A_326 = arith.constant 32 : index
        %swap3A_327 = tpu.vector_load %arg10[%swap3A_325, %swap3A_326] {strides = array<i32>} : memref<128x64xf32, #tpu.memory_space<vmem>>, vector<16xf32>,
        tpu.vector_store %arg10[%swap3A_325, %swap3A_326], %add3A_324 {strides = array<i32>} : memref<128x64xf32, #tpu.memory_space<vmem>>, vector<16xf32>,
        %get3A_328 = arith.index_cast %add3A_297 : i32 to index
        %get3A_329 = arith.constant 48 : index
        %get3A_330 = tpu.vector_load %arg8[%get3A_328, %get3A_329] {strides = array<i32>} : memref<128x64xf32, #tpu.memory_space<vmem>>, vector<16xf32>,
        %mul3A_331 = arith.constant 8.000000e+00 : f32
        %mul3A_332 = vector.broadcast %mul3A_331 : f32 to vector<16xf32>
        %mul3A_333 = arith.mulf %get3A_330, %mul3A_332 : vector<16xf32>
        %add3A_334 = arith.addf %mul3A_333, %get3A_52 : vector<16xf32>
        %swap3A_335 = arith.index_cast %add3A_297 : i32 to index
        %swap3A_336 = arith.constant 48 : index
        %swap3A_337 = tpu.vector_load %arg10[%swap3A_335, %swap3A_336] {strides = array<i32>} : memref<128x64xf32, #tpu.memory_space<vmem>>, vector<16xf32>,
        tpu.vector_store %arg10[%swap3A_335, %swap3A_336], %add3A_334 {strides = array<i32>} : memref<128x64xf32, #tpu.memory_space<vmem>>, vector<16xf32>,
        %mul3A_338 = arith.constant 8 : i32
        %mul3A_339 = arith.muli %scan3A_117, %mul3A_338 : i32
        %add3A_340 = arith.constant 5 : i32
        %add3A_341 = arith.addi %mul3A_339, %add3A_340 : i32
        %get3A_342 = arith.index_cast %add3A_341 : i32 to index
        %get3A_343 = arith.constant 0 : index
        %get3A_344 = tpu.vector_load %arg8[%get3A_342, %get3A_343] {strides = array<i32>} : memref<128x64xf32, #tpu.memory_space<vmem>>, vector<16xf32>,
        %mul3A_345 = arith.constant 8.000000e+00 : f32
        %mul3A_346 = vector.broadcast %mul3A_345 : f32 to vector<16xf32>
        %mul3A_347 = arith.mulf %get3A_344, %mul3A_346 : vector<16xf32>
        %add3A_348 = arith.addf %mul3A_347, %get3A_43 : vector<16xf32>
        %swap3A_349 = arith.index_cast %add3A_341 : i32 to index
        %swap3A_350 = arith.constant 0 : index
        %swap3A_351 = tpu.vector_load %arg10[%swap3A_349, %swap3A_350] {strides = array<i32>} : memref<128x64xf32, #tpu.memory_space<vmem>>, vector<16xf32>,
        tpu.vector_store %arg10[%swap3A_349, %swap3A_350], %add3A_348 {strides = array<i32>} : memref<128x64xf32, #tpu.memory_space<vmem>>, vector<16xf32>,
        %get3A_352 = arith.index_cast %add3A_341 : i32 to index
        %get3A_353 = arith.constant 16 : index
        %get3A_354 = tpu.vector_load %arg8[%get3A_352, %get3A_353] {strides = array<i32>} : memref<128x64xf32, #tpu.memory_space<vmem>>, vector<16xf32>,
        %mul3A_355 = arith.constant 8.000000e+00 : f32
        %mul3A_356 = vector.broadcast %mul3A_355 : f32 to vector<16xf32>
        %mul3A_357 = arith.mulf %get3A_354, %mul3A_356 : vector<16xf32>
        %add3A_358 = arith.addf %mul3A_357, %get3A_46 : vector<16xf32>
        %swap3A_359 = arith.index_cast %add3A_341 : i32 to index
        %swap3A_360 = arith.constant 16 : index
        %swap3A_361 = tpu.vector_load %arg10[%swap3A_359, %swap3A_360] {strides = array<i32>} : memref<128x64xf32, #tpu.memory_space<vmem>>, vector<16xf32>,
        tpu.vector_store %arg10[%swap3A_359, %swap3A_360], %add3A_358 {strides = array<i32>} : memref<128x64xf32, #tpu.memory_space<vmem>>, vector<16xf32>,
        %get3A_362 = arith.index_cast %add3A_341 : i32 to index
        %get3A_363 = arith.constant 32 : index
        %get3A_364 = tpu.vector_load %arg8[%get3A_362, %get3A_363] {strides = array<i32>} : memref<128x64xf32, #tpu.memory_space<vmem>>, vector<16xf32>,
        %mul3A_365 = arith.constant 8.000000e+00 : f32
        %mul3A_366 = vector.broadcast %mul3A_365 : f32 to vector<16xf32>
        %mul3A_367 = arith.mulf %get3A_364, %mul3A_366 : vector<16xf32>
        %add3A_368 = arith.addf %mul3A_367, %get3A_49 : vector<16xf32>
        %swap3A_369 = arith.index_cast %add3A_341 : i32 to index
        %swap3A_370 = arith.constant 32 : index
        %swap3A_371 = tpu.vector_load %arg10[%swap3A_369, %swap3A_370] {strides = array<i32>} : memref<128x64xf32, #tpu.memory_space<vmem>>, vector<16xf32>,
        tpu.vector_store %arg10[%swap3A_369, %swap3A_370], %add3A_368 {strides = array<i32>} : memref<128x64xf32, #tpu.memory_space<vmem>>, vector<16xf32>,
        %get3A_372 = arith.index_cast %add3A_341 : i32 to index
        %get3A_373 = arith.constant 48 : index
        %get3A_374 = tpu.vector_load %arg8[%get3A_372, %get3A_373] {strides = array<i32>} : memref<128x64xf32, #tpu.memory_space<vmem>>, vector<16xf32>,
        %mul3A_375 = arith.constant 8.000000e+00 : f32
        %mul3A_376 = vector.broadcast %mul3A_375 : f32 to vector<16xf32>
        %mul3A_377 = arith.mulf %get3A_374, %mul3A_376 : vector<16xf32>
        %add3A_378 = arith.addf %mul3A_377, %get3A_52 : vector<16xf32>
        %swap3A_379 = arith.index_cast %add3A_341 : i32 to index
        %swap3A_380 = arith.constant 48 : index
        %swap3A_381 = tpu.vector_load %arg10[%swap3A_379, %swap3A_380] {strides = array<i32>} : memref<128x64xf32, #tpu.memory_space<vmem>>, vector<16xf32>,
        tpu.vector_store %arg10[%swap3A_379, %swap3A_380], %add3A_378 {strides = array<i32>} : memref<128x64xf32, #tpu.memory_space<vmem>>, vector<16xf32>,
        %mul3A_382 = arith.constant 8 : i32
        %mul3A_383 = arith.muli %scan3A_117, %mul3A_382 : i32
        %add3A_384 = arith.constant 6 : i32
        %add3A_385 = arith.addi %mul3A_383, %add3A_384 : i32
        %get3A_386 = arith.index_cast %add3A_385 : i32 to index
        %get3A_387 = arith.constant 0 : index
        %get3A_388 = tpu.vector_load %arg8[%get3A_386, %get3A_387] {strides = array<i32>} : memref<128x64xf32, #tpu.memory_space<vmem>>, vector<16xf32>,
        %mul3A_389 = arith.constant 8.000000e+00 : f32
        %mul3A_390 = vector.broadcast %mul3A_389 : f32 to vector<16xf32>
        %mul3A_391 = arith.mulf %get3A_388, %mul3A_390 : vector<16xf32>
        %add3A_392 = arith.addf %mul3A_391, %get3A_43 : vector<16xf32>
        %swap3A_393 = arith.index_cast %add3A_385 : i32 to index
        %swap3A_394 = arith.constant 0 : index
        %swap3A_395 = tpu.vector_load %arg10[%swap3A_393, %swap3A_394] {strides = array<i32>} : memref<128x64xf32, #tpu.memory_space<vmem>>, vector<16xf32>,
        tpu.vector_store %arg10[%swap3A_393, %swap3A_394], %add3A_392 {strides = array<i32>} : memref<128x64xf32, #tpu.memory_space<vmem>>, vector<16xf32>,
        %get3A_396 = arith.index_cast %add3A_385 : i32 to index
        %get3A_397 = arith.constant 16 : index
        %get3A_398 = tpu.vector_load %arg8[%get3A_396, %get3A_397] {strides = array<i32>} : memref<128x64xf32, #tpu.memory_space<vmem>>, vector<16xf32>,
        %mul3A_399 = arith.constant 8.000000e+00 : f32
        %mul3A_400 = vector.broadcast %mul3A_399 : f32 to vector<16xf32>
        %mul3A_401 = arith.mulf %get3A_398, %mul3A_400 : vector<16xf32>
        %add3A_402 = arith.addf %mul3A_401, %get3A_46 : vector<16xf32>
        %swap3A_403 = arith.index_cast %add3A_385 : i32 to index
        %swap3A_404 = arith.constant 16 : index
        %swap3A_405 = tpu.vector_load %arg10[%swap3A_403, %swap3A_404] {strides = array<i32>} : memref<128x64xf32, #tpu.memory_space<vmem>>, vector<16xf32>,
        tpu.vector_store %arg10[%swap3A_403, %swap3A_404], %add3A_402 {strides = array<i32>} : memref<128x64xf32, #tpu.memory_space<vmem>>, vector<16xf32>,
        %get3A_406 = arith.index_cast %add3A_385 : i32 to index
        %get3A_407 = arith.constant 32 : index
        %get3A_408 = tpu.vector_load %arg8[%get3A_406, %get3A_407] {strides = array<i32>} : memref<128x64xf32, #tpu.memory_space<vmem>>, vector<16xf32>,
        %mul3A_409 = arith.constant 8.000000e+00 : f32
        %mul3A_410 = vector.broadcast %mul3A_409 : f32 to vector<16xf32>
        %mul3A_411 = arith.mulf %get3A_408, %mul3A_410 : vector<16xf32>
        %add3A_412 = arith.addf %mul3A_411, %get3A_49 : vector<16xf32>
        %swap3A_413 = arith.index_cast %add3A_385 : i32 to index
        %swap3A_414 = arith.constant 32 : index
        %swap3A_415 = tpu.vector_load %arg10[%swap3A_413, %swap3A_414] {strides = array<i32>} : memref<128x64xf32, #tpu.memory_space<vmem>>, vector<16xf32>,
        tpu.vector_store %arg10[%swap3A_413, %swap3A_414], %add3A_412 {strides = array<i32>} : memref<128x64xf32, #tpu.memory_space<vmem>>, vector<16xf32>,
        %get3A_416 = arith.index_cast %add3A_385 : i32 to index
        %get3A_417 = arith.constant 48 : index
        %get3A_418 = tpu.vector_load %arg8[%get3A_416, %get3A_417] {strides = array<i32>} : memref<128x64xf32, #tpu.memory_space<vmem>>, vector<16xf32>,
        %mul3A_419 = arith.constant 8.000000e+00 : f32
        %mul3A_420 = vector.broadcast %mul3A_419 : f32 to vector<16xf32>
        %mul3A_421 = arith.mulf %get3A_418, %mul3A_420 : vector<16xf32>
        %add3A_422 = arith.addf %mul3A_421, %get3A_52 : vector<16xf32>
        %swap3A_423 = arith.index_cast %add3A_385 : i32 to index
        %swap3A_424 = arith.constant 48 : index
        %swap3A_425 = tpu.vector_load %arg10[%swap3A_423, %swap3A_424] {strides = array<i32>} : memref<128x64xf32, #tpu.memory_space<vmem>>, vector<16xf32>,
        tpu.vector_store %arg10[%swap3A_423, %swap3A_424], %add3A_422 {strides = array<i32>} : memref<128x64xf32, #tpu.memory_space<vmem>>, vector<16xf32>,
        %mul3A_426 = arith.constant 8 : i32
        %mul3A_427 = arith.muli %scan3A_117, %mul3A_426 : i32
        %add3A_428 = arith.constant 7 : i32
        %add3A_429 = arith.addi %mul3A_427, %add3A_428 : i32
        %get3A_430 = arith.index_cast %add3A_429 : i32 to index
        %get3A_431 = arith.constant 0 : index
        %get3A_432 = tpu.vector_load %arg8[%get3A_430, %get3A_431] {strides = array<i32>} : memref<128x64xf32, #tpu.memory_space<vmem>>, vector<16xf32>,
        %mul3A_433 = arith.constant 8.000000e+00 : f32
        %mul3A_434 = vector.broadcast %mul3A_433 : f32 to vector<16xf32>
        %mul3A_435 = arith.mulf %get3A_432, %mul3A_434 : vector<16xf32>
        %add3A_436 = arith.addf %mul3A_435, %get3A_43 : vector<16xf32>
        %swap3A_437 = arith.index_cast %add3A_429 : i32 to index
        %swap3A_438 = arith.constant 0 : index
        %swap3A_439 = tpu.vector_load %arg10[%swap3A_437, %swap3A_438] {strides = array<i32>} : memref<128x64xf32, #tpu.memory_space<vmem>>, vector<16xf32>,
        tpu.vector_store %arg10[%swap3A_437, %swap3A_438], %add3A_436 {strides = array<i32>} : memref<128x64xf32, #tpu.memory_space<vmem>>, vector<16xf32>,
        %get3A_440 = arith.index_cast %add3A_429 : i32 to index
        %get3A_441 = arith.constant 16 : index
        %get3A_442 = tpu.vector_load %arg8[%get3A_440, %get3A_441] {strides = array<i32>} : memref<128x64xf32, #tpu.memory_space<vmem>>, vector<16xf32>,
        %mul3A_443 = arith.constant 8.000000e+00 : f32
        %mul3A_444 = vector.broadcast %mul3A_443 : f32 to vector<16xf32>
        %mul3A_445 = arith.mulf %get3A_442, %mul3A_444 : vector<16xf32>
        %add3A_446 = arith.addf %mul3A_445, %get3A_46 : vector<16xf32>
        %swap3A_447 = arith.index_cast %add3A_429 : i32 to index
        %swap3A_448 = arith.constant 16 : index
        %swap3A_449 = tpu.vector_load %arg10[%swap3A_447, %swap3A_448] {strides = array<i32>} : memref<128x64xf32, #tpu.memory_space<vmem>>, vector<16xf32>,
        tpu.vector_store %arg10[%swap3A_447, %swap3A_448], %add3A_446 {strides = array<i32>} : memref<128x64xf32, #tpu.memory_space<vmem>>, vector<16xf32>,
        %get3A_450 = arith.index_cast %add3A_429 : i32 to index
        %get3A_451 = arith.constant 32 : index
        %get3A_452 = tpu.vector_load %arg8[%get3A_450, %get3A_451] {strides = array<i32>} : memref<128x64xf32, #tpu.memory_space<vmem>>, vector<16xf32>,
        %mul3A_453 = arith.constant 8.000000e+00 : f32
        %mul3A_454 = vector.broadcast %mul3A_453 : f32 to vector<16xf32>
        %mul3A_455 = arith.mulf %get3A_452, %mul3A_454 : vector<16xf32>
        %add3A_456 = arith.addf %mul3A_455, %get3A_49 : vector<16xf32>
        %swap3A_457 = arith.index_cast %add3A_429 : i32 to index
        %swap3A_458 = arith.constant 32 : index
        %swap3A_459 = tpu.vector_load %arg10[%swap3A_457, %swap3A_458] {strides = array<i32>} : memref<128x64xf32, #tpu.memory_space<vmem>>, vector<16xf32>,
        tpu.vector_store %arg10[%swap3A_457, %swap3A_458], %add3A_456 {strides = array<i32>} : memref<128x64xf32, #tpu.memory_space<vmem>>, vector<16xf32>,
        %get3A_460 = arith.index_cast %add3A_429 : i32 to index
        %get3A_461 = arith.constant 48 : index
        %get3A_462 = tpu.vector_load %arg8[%get3A_460, %get3A_461] {strides = array<i32>} : memref<128x64xf32, #tpu.memory_space<vmem>>, vector<16xf32>,
        %mul3A_463 = arith.constant 8.000000e+00 : f32
        %mul3A_464 = vector.broadcast %mul3A_463 : f32 to vector<16xf32>
        %mul3A_465 = arith.mulf %get3A_462, %mul3A_464 : vector<16xf32>
        %add3A_466 = arith.addf %mul3A_465, %get3A_52 : vector<16xf32>
        %swap3A_467 = arith.index_cast %add3A_429 : i32 to index
        %swap3A_468 = arith.constant 48 : index
        %swap3A_469 = tpu.vector_load %arg10[%swap3A_467, %swap3A_468] {strides = array<i32>} : memref<128x64xf32, #tpu.memory_space<vmem>>, vector<16xf32>,
        tpu.vector_store %arg10[%swap3A_467, %swap3A_468], %add3A_466 {strides = array<i32>} : memref<128x64xf32, #tpu.memory_space<vmem>>, vector<16xf32>,
        %scan3A_470 = arith.constant 0 : i32
        scf.yield %scan3A_470 : i32
      }
      %scan3A_59 = arith.constant 16 : i32
      %add3A_60 = arith.constant 2 : i32
      %add3A_61 = arith.addi %add3A_36, %add3A_60 : i32
      %lt3A = arith.constant 200 : i32
      %lt3A_62 = arith.cmpi slt, %add3A_61, %lt3A : i32
      %convert_element_type3A_63 = arith.extui %lt3A_62 : i1 to i32
      %cond3A_64 = arith.constant 0 : i32
      %cond3A_65 = arith.cmpi ne, %convert_element_type3A_63, %cond3A_64 : i32
      scf.if %cond3A_65 {
        %add3A_117 = arith.constant 2 : i32
        %add3A_118 = arith.addi %add3A_36, %add3A_117 : i32
        %mul3A_119 = arith.constant 4096 : i32
        %mul3A_120 = arith.muli %add3A_118, %mul3A_119 : i32
        %add3A_121 = arith.addi %mul3A_120, %mul3A_2 : i32
        "tpu.region"() ({
          %run_scoped3A = tpu.sem_alloc : memref<!tpu.dma_semaphore, #tpu.memory_space<semaphore_mem>>
          %dma_start3A_125 = tpu.memref_slice %arg2[%add3A_121] : memref<819200xi32, #tpu.memory_space<hbm>> -> memref<128xi32, #tpu.memory_space<hbm>>
          %dma_start3A_126 = tpu.memref_slice %arg2[%add3A_121] : memref<819200xi32, #tpu.memory_space<hbm>> -> memref<128xi32, #tpu.memory_space<hbm>>
          tpu.enqueue_dma source(%dma_start3A_126 : memref<128xi32, #tpu.memory_space<hbm>>) target(%arg6 : memref<128xi32, #tpu.memory_space<vmem>>) target_semaphore(%run_scoped3A : memref<!tpu.dma_semaphore, #tpu.memory_space<semaphore_mem>>)
          %dma_wait3A_127 = tpu.memref_slice %arg2[%add3A_121] : memref<819200xi32, #tpu.memory_space<hbm>> -> memref<128xi32, #tpu.memory_space<hbm>>
          %dma_wait3A_128 = tpu.memref_slice %arg2[%add3A_121] : memref<819200xi32, #tpu.memory_space<hbm>> -> memref<128xi32, #tpu.memory_space<hbm>>
          tpu.wait_dma2 semaphore(%run_scoped3A : memref<!tpu.dma_semaphore, #tpu.memory_space<semaphore_mem>>) src(%dma_wait3A_128 : memref<128xi32, #tpu.memory_space<hbm>>) dst(%arg6 : memref<128xi32, #tpu.memory_space<vmem>>)
          tpu.yield
        }) : () -> ()
        %dma_start3A_122 = arith.constant 0 : i32
        %dma_start3A_123 = arith.constant 0 : i32
        %dma_start3A_124 = tpu.memref_slice %arg4[%dma_start3A_122, %dma_start3A_123] : memref<1000000x64xf32, #tpu.memory_space<hbm>> -> memref<1000000x64xf32, #tpu.memory_space<hbm>>
        tpu.enqueue_indirect_dma source(%dma_start3A_124 : memref<1000000x64xf32, #tpu.memory_space<hbm>>) target(%arg8 : memref<128x64xf32, #tpu.memory_space<vmem>>) offsets(%arg6 : memref<128xi32, #tpu.memory_space<vmem>>) semaphore(%arg13 : memref<!tpu.dma_semaphore, #tpu.memory_space<semaphore_mem>>)
      } else {
      }
      %dma_start3A_66 = arith.constant 0 : i32
      %dma_start3A_67 = tpu.memref_slice %arg5[%mul3A_2, %add3A_36, %dma_start3A_66] : memref<4096x200x64xf32, #tpu.memory_space<hbm>> -> memref<128x1x64xf32, #tpu.memory_space<hbm>>
      %dma_start3A_68 = tpu.memref_squeeze %dma_start3A_67 : memref<128x1x64xf32, #tpu.memory_space<hbm>> -> memref<128x64xf32, #tpu.memory_space<hbm>>
      %dma_start3A_69 = arith.constant 0 : i32
      %dma_start3A_70 = tpu.memref_slice %arg5[%mul3A_2, %add3A_36, %dma_start3A_69] : memref<4096x200x64xf32, #tpu.memory_space<hbm>> -> memref<128x1x64xf32, #tpu.memory_space<hbm>>
      %dma_start3A_71 = tpu.memref_squeeze %dma_start3A_70 : memref<128x1x64xf32, #tpu.memory_space<hbm>> -> memref<128x64xf32, #tpu.memory_space<hbm>>
      tpu.enqueue_dma source(%arg10 : memref<128x64xf32, #tpu.memory_space<vmem>>) target(%dma_start3A_71 : memref<128x64xf32, #tpu.memory_space<hbm>>) target_semaphore(%arg15 : memref<!tpu.dma_semaphore, #tpu.memory_space<semaphore_mem>>)
      %mul3A_72 = arith.constant 2 : i32
      %mul3A_73 = arith.muli %scan3A_31, %mul3A_72 : i32
      %add3A_74 = arith.constant 1 : i32
      %add3A_75 = arith.addi %mul3A_73, %add3A_74 : i32
      %dma_wait3A_76 = arith.constant 0 : i32
      %dma_wait3A_77 = arith.constant 0 : i32
      %dma_wait3A_78 = tpu.memref_slice %arg4[%dma_wait3A_76, %dma_wait3A_77] : memref<1000000x64xf32, #tpu.memory_space<hbm>> -> memref<1000000x64xf32, #tpu.memory_space<hbm>>
      tpu.wait_indirect_dma semaphore(%arg14 : memref<!tpu.dma_semaphore, #tpu.memory_space<semaphore_mem>>) src(%dma_wait3A_78 : memref<1000000x64xf32, #tpu.memory_space<hbm>>) dst(%arg9 : memref<128x64xf32, #tpu.memory_space<vmem>>)
      %ge3A_79 = arith.constant 1 : i32
      %ge3A_80 = arith.cmpi sge, %scan3A_31, %ge3A_79 : i32
      %convert_element_type3A_81 = arith.extui %ge3A_80 : i1 to i32
      %cond3A_82 = arith.constant 0 : i32
      %cond3A_83 = arith.cmpi ne, %convert_element_type3A_81, %cond3A_82 : i32
      scf.if %cond3A_83 {
        %sub3A = arith.constant 2 : i32
        %sub3A_117 = arith.subi %add3A_75, %sub3A : i32
        %dma_wait3A_118 = arith.constant 0 : i32
        %dma_wait3A_119 = tpu.memref_slice %arg5[%mul3A_2, %sub3A_117, %dma_wait3A_118] : memref<4096x200x64xf32, #tpu.memory_space<hbm>> -> memref<128x1x64xf32, #tpu.memory_space<hbm>>
        %dma_wait3A_120 = tpu.memref_squeeze %dma_wait3A_119 : memref<128x1x64xf32, #tpu.memory_space<hbm>> -> memref<128x64xf32, #tpu.memory_space<hbm>>
        %dma_wait3A_121 = arith.constant 0 : i32
        %dma_wait3A_122 = tpu.memref_slice %arg5[%mul3A_2, %sub3A_117, %dma_wait3A_121] : memref<4096x200x64xf32, #tpu.memory_space<hbm>> -> memref<128x1x64xf32, #tpu.memory_space<hbm>>
        %dma_wait3A_123 = tpu.memref_squeeze %dma_wait3A_122 : memref<128x1x64xf32, #tpu.memory_space<hbm>> -> memref<128x64xf32, #tpu.memory_space<hbm>>
        tpu.wait_dma2 semaphore(%arg16 : memref<!tpu.dma_semaphore, #tpu.memory_space<semaphore_mem>>) src(%arg11 : memref<128x64xf32, #tpu.memory_space<vmem>>) dst(%dma_wait3A_123 : memref<128x64xf32, #tpu.memory_space<hbm>>)
      } else {
      }
      %get3A_84 = arith.index_cast %add3A_75 : i32 to index
      %get3A_85 = arith.constant 0 : index
      %get3A_86 = tpu.vector_load %arg12[%get3A_84, %get3A_85] {strides = array<i32>} : memref<200x64xf32, #tpu.memory_space<vmem>>, vector<16xf32>,
      %get3A_87 = arith.index_cast %add3A_75 : i32 to index
      %get3A_88 = arith.constant 16 : index
      %get3A_89 = tpu.vector_load %arg12[%get3A_87, %get3A_88] {strides = array<i32>} : memref<200x64xf32, #tpu.memory_space<vmem>>, vector<16xf32>,
      %get3A_90 = arith.index_cast %add3A_75 : i32 to index
      %get3A_91 = arith.constant 32 : index
      %get3A_92 = tpu.vector_load %arg12[%get3A_90, %get3A_91] {strides = array<i32>} : memref<200x64xf32, #tpu.memory_space<vmem>>, vector<16xf32>,
      %get3A_93 = arith.index_cast %add3A_75 : i32 to index
      %get3A_94 = arith.constant 48 : index
      %get3A_95 = tpu.vector_load %arg12[%get3A_93, %get3A_94] {strides = array<i32>} : memref<200x64xf32, #tpu.memory_space<vmem>>, vector<16xf32>,
      %scan3A_96 = arith.constant 0 : i32
      %scan3A_97 = arith.constant 0 : i32
      %scan3A_98 = arith.constant 16 : i32
      %scan3A_99 = arith.addi %scan3A_97, %scan3A_98 : i32
      %scan3A_100 = arith.constant 1 : i32
      %scan3A_101 = scf.for %scan3A_117 = %scan3A_97 to %scan3A_99 step %scan3A_100 iter_args(%scan3A_118 = %scan3A_96) -> (i32)  : i32 {
        %mul3A_119 = arith.constant 8 : i32
        %mul3A_120 = arith.muli %scan3A_117, %mul3A_119 : i32
        %add3A_121 = arith.constant 0 : i32
        %add3A_122 = arith.addi %mul3A_120, %add3A_121 : i32
        %get3A_123 = arith.index_cast %add3A_122 : i32 to index
        %get3A_124 = arith.constant 0 : index
        %get3A_125 = tpu.vector_load %arg9[%get3A_123, %get3A_124] {strides = array<i32>} : memref<128x64xf32, #tpu.memory_space<vmem>>, vector<16xf32>,
        %mul3A_126 = arith.constant 8.000000e+00 : f32
        %mul3A_127 = vector.broadcast %mul3A_126 : f32 to vector<16xf32>
        %mul3A_128 = arith.mulf %get3A_125, %mul3A_127 : vector<16xf32>
        %add3A_129 = arith.addf %mul3A_128, %get3A_86 : vector<16xf32>
        %swap3A = arith.index_cast %add3A_122 : i32 to index
        %swap3A_130 = arith.constant 0 : index
        %swap3A_131 = tpu.vector_load %arg11[%swap3A, %swap3A_130] {strides = array<i32>} : memref<128x64xf32, #tpu.memory_space<vmem>>, vector<16xf32>,
        tpu.vector_store %arg11[%swap3A, %swap3A_130], %add3A_129 {strides = array<i32>} : memref<128x64xf32, #tpu.memory_space<vmem>>, vector<16xf32>,
        %get3A_132 = arith.index_cast %add3A_122 : i32 to index
        %get3A_133 = arith.constant 16 : index
        %get3A_134 = tpu.vector_load %arg9[%get3A_132, %get3A_133] {strides = array<i32>} : memref<128x64xf32, #tpu.memory_space<vmem>>, vector<16xf32>,
        %mul3A_135 = arith.constant 8.000000e+00 : f32
        %mul3A_136 = vector.broadcast %mul3A_135 : f32 to vector<16xf32>
        %mul3A_137 = arith.mulf %get3A_134, %mul3A_136 : vector<16xf32>
        %add3A_138 = arith.addf %mul3A_137, %get3A_89 : vector<16xf32>
        %swap3A_139 = arith.index_cast %add3A_122 : i32 to index
        %swap3A_140 = arith.constant 16 : index
        %swap3A_141 = tpu.vector_load %arg11[%swap3A_139, %swap3A_140] {strides = array<i32>} : memref<128x64xf32, #tpu.memory_space<vmem>>, vector<16xf32>,
        tpu.vector_store %arg11[%swap3A_139, %swap3A_140], %add3A_138 {strides = array<i32>} : memref<128x64xf32, #tpu.memory_space<vmem>>, vector<16xf32>,
        %get3A_142 = arith.index_cast %add3A_122 : i32 to index
        %get3A_143 = arith.constant 32 : index
        %get3A_144 = tpu.vector_load %arg9[%get3A_142, %get3A_143] {strides = array<i32>} : memref<128x64xf32, #tpu.memory_space<vmem>>, vector<16xf32>,
        %mul3A_145 = arith.constant 8.000000e+00 : f32
        %mul3A_146 = vector.broadcast %mul3A_145 : f32 to vector<16xf32>
        %mul3A_147 = arith.mulf %get3A_144, %mul3A_146 : vector<16xf32>
        %add3A_148 = arith.addf %mul3A_147, %get3A_92 : vector<16xf32>
        %swap3A_149 = arith.index_cast %add3A_122 : i32 to index
        %swap3A_150 = arith.constant 32 : index
        %swap3A_151 = tpu.vector_load %arg11[%swap3A_149, %swap3A_150] {strides = array<i32>} : memref<128x64xf32, #tpu.memory_space<vmem>>, vector<16xf32>,
        tpu.vector_store %arg11[%swap3A_149, %swap3A_150], %add3A_148 {strides = array<i32>} : memref<128x64xf32, #tpu.memory_space<vmem>>, vector<16xf32>,
        %get3A_152 = arith.index_cast %add3A_122 : i32 to index
        %get3A_153 = arith.constant 48 : index
        %get3A_154 = tpu.vector_load %arg9[%get3A_152, %get3A_153] {strides = array<i32>} : memref<128x64xf32, #tpu.memory_space<vmem>>, vector<16xf32>,
        %mul3A_155 = arith.constant 8.000000e+00 : f32
        %mul3A_156 = vector.broadcast %mul3A_155 : f32 to vector<16xf32>
        %mul3A_157 = arith.mulf %get3A_154, %mul3A_156 : vector<16xf32>
        %add3A_158 = arith.addf %mul3A_157, %get3A_95 : vector<16xf32>
        %swap3A_159 = arith.index_cast %add3A_122 : i32 to index
        %swap3A_160 = arith.constant 48 : index
        %swap3A_161 = tpu.vector_load %arg11[%swap3A_159, %swap3A_160] {strides = array<i32>} : memref<128x64xf32, #tpu.memory_space<vmem>>, vector<16xf32>,
        tpu.vector_store %arg11[%swap3A_159, %swap3A_160], %add3A_158 {strides = array<i32>} : memref<128x64xf32, #tpu.memory_space<vmem>>, vector<16xf32>,
        %mul3A_162 = arith.constant 8 : i32
        %mul3A_163 = arith.muli %scan3A_117, %mul3A_162 : i32
        %add3A_164 = arith.constant 1 : i32
        %add3A_165 = arith.addi %mul3A_163, %add3A_164 : i32
        %get3A_166 = arith.index_cast %add3A_165 : i32 to index
        %get3A_167 = arith.constant 0 : index
        %get3A_168 = tpu.vector_load %arg9[%get3A_166, %get3A_167] {strides = array<i32>} : memref<128x64xf32, #tpu.memory_space<vmem>>, vector<16xf32>,
        %mul3A_169 = arith.constant 8.000000e+00 : f32
        %mul3A_170 = vector.broadcast %mul3A_169 : f32 to vector<16xf32>
        %mul3A_171 = arith.mulf %get3A_168, %mul3A_170 : vector<16xf32>
        %add3A_172 = arith.addf %mul3A_171, %get3A_86 : vector<16xf32>
        %swap3A_173 = arith.index_cast %add3A_165 : i32 to index
        %swap3A_174 = arith.constant 0 : index
        %swap3A_175 = tpu.vector_load %arg11[%swap3A_173, %swap3A_174] {strides = array<i32>} : memref<128x64xf32, #tpu.memory_space<vmem>>, vector<16xf32>,
        tpu.vector_store %arg11[%swap3A_173, %swap3A_174], %add3A_172 {strides = array<i32>} : memref<128x64xf32, #tpu.memory_space<vmem>>, vector<16xf32>,
        %get3A_176 = arith.index_cast %add3A_165 : i32 to index
        %get3A_177 = arith.constant 16 : index
        %get3A_178 = tpu.vector_load %arg9[%get3A_176, %get3A_177] {strides = array<i32>} : memref<128x64xf32, #tpu.memory_space<vmem>>, vector<16xf32>,
        %mul3A_179 = arith.constant 8.000000e+00 : f32
        %mul3A_180 = vector.broadcast %mul3A_179 : f32 to vector<16xf32>
        %mul3A_181 = arith.mulf %get3A_178, %mul3A_180 : vector<16xf32>
        %add3A_182 = arith.addf %mul3A_181, %get3A_89 : vector<16xf32>
        %swap3A_183 = arith.index_cast %add3A_165 : i32 to index
        %swap3A_184 = arith.constant 16 : index
        %swap3A_185 = tpu.vector_load %arg11[%swap3A_183, %swap3A_184] {strides = array<i32>} : memref<128x64xf32, #tpu.memory_space<vmem>>, vector<16xf32>,
        tpu.vector_store %arg11[%swap3A_183, %swap3A_184], %add3A_182 {strides = array<i32>} : memref<128x64xf32, #tpu.memory_space<vmem>>, vector<16xf32>,
        %get3A_186 = arith.index_cast %add3A_165 : i32 to index
        %get3A_187 = arith.constant 32 : index
        %get3A_188 = tpu.vector_load %arg9[%get3A_186, %get3A_187] {strides = array<i32>} : memref<128x64xf32, #tpu.memory_space<vmem>>, vector<16xf32>,
        %mul3A_189 = arith.constant 8.000000e+00 : f32
        %mul3A_190 = vector.broadcast %mul3A_189 : f32 to vector<16xf32>
        %mul3A_191 = arith.mulf %get3A_188, %mul3A_190 : vector<16xf32>
        %add3A_192 = arith.addf %mul3A_191, %get3A_92 : vector<16xf32>
        %swap3A_193 = arith.index_cast %add3A_165 : i32 to index
        %swap3A_194 = arith.constant 32 : index
        %swap3A_195 = tpu.vector_load %arg11[%swap3A_193, %swap3A_194] {strides = array<i32>} : memref<128x64xf32, #tpu.memory_space<vmem>>, vector<16xf32>,
        tpu.vector_store %arg11[%swap3A_193, %swap3A_194], %add3A_192 {strides = array<i32>} : memref<128x64xf32, #tpu.memory_space<vmem>>, vector<16xf32>,
        %get3A_196 = arith.index_cast %add3A_165 : i32 to index
        %get3A_197 = arith.constant 48 : index
        %get3A_198 = tpu.vector_load %arg9[%get3A_196, %get3A_197] {strides = array<i32>} : memref<128x64xf32, #tpu.memory_space<vmem>>, vector<16xf32>,
        %mul3A_199 = arith.constant 8.000000e+00 : f32
        %mul3A_200 = vector.broadcast %mul3A_199 : f32 to vector<16xf32>
        %mul3A_201 = arith.mulf %get3A_198, %mul3A_200 : vector<16xf32>
        %add3A_202 = arith.addf %mul3A_201, %get3A_95 : vector<16xf32>
        %swap3A_203 = arith.index_cast %add3A_165 : i32 to index
        %swap3A_204 = arith.constant 48 : index
        %swap3A_205 = tpu.vector_load %arg11[%swap3A_203, %swap3A_204] {strides = array<i32>} : memref<128x64xf32, #tpu.memory_space<vmem>>, vector<16xf32>,
        tpu.vector_store %arg11[%swap3A_203, %swap3A_204], %add3A_202 {strides = array<i32>} : memref<128x64xf32, #tpu.memory_space<vmem>>, vector<16xf32>,
        %mul3A_206 = arith.constant 8 : i32
        %mul3A_207 = arith.muli %scan3A_117, %mul3A_206 : i32
        %add3A_208 = arith.constant 2 : i32
        %add3A_209 = arith.addi %mul3A_207, %add3A_208 : i32
        %get3A_210 = arith.index_cast %add3A_209 : i32 to index
        %get3A_211 = arith.constant 0 : index
        %get3A_212 = tpu.vector_load %arg9[%get3A_210, %get3A_211] {strides = array<i32>} : memref<128x64xf32, #tpu.memory_space<vmem>>, vector<16xf32>,
        %mul3A_213 = arith.constant 8.000000e+00 : f32
        %mul3A_214 = vector.broadcast %mul3A_213 : f32 to vector<16xf32>
        %mul3A_215 = arith.mulf %get3A_212, %mul3A_214 : vector<16xf32>
        %add3A_216 = arith.addf %mul3A_215, %get3A_86 : vector<16xf32>
        %swap3A_217 = arith.index_cast %add3A_209 : i32 to index
        %swap3A_218 = arith.constant 0 : index
        %swap3A_219 = tpu.vector_load %arg11[%swap3A_217, %swap3A_218] {strides = array<i32>} : memref<128x64xf32, #tpu.memory_space<vmem>>, vector<16xf32>,
        tpu.vector_store %arg11[%swap3A_217, %swap3A_218], %add3A_216 {strides = array<i32>} : memref<128x64xf32, #tpu.memory_space<vmem>>, vector<16xf32>,
        %get3A_220 = arith.index_cast %add3A_209 : i32 to index
        %get3A_221 = arith.constant 16 : index
        %get3A_222 = tpu.vector_load %arg9[%get3A_220, %get3A_221] {strides = array<i32>} : memref<128x64xf32, #tpu.memory_space<vmem>>, vector<16xf32>,
        %mul3A_223 = arith.constant 8.000000e+00 : f32
        %mul3A_224 = vector.broadcast %mul3A_223 : f32 to vector<16xf32>
        %mul3A_225 = arith.mulf %get3A_222, %mul3A_224 : vector<16xf32>
        %add3A_226 = arith.addf %mul3A_225, %get3A_89 : vector<16xf32>
        %swap3A_227 = arith.index_cast %add3A_209 : i32 to index
        %swap3A_228 = arith.constant 16 : index
        %swap3A_229 = tpu.vector_load %arg11[%swap3A_227, %swap3A_228] {strides = array<i32>} : memref<128x64xf32, #tpu.memory_space<vmem>>, vector<16xf32>,
        tpu.vector_store %arg11[%swap3A_227, %swap3A_228], %add3A_226 {strides = array<i32>} : memref<128x64xf32, #tpu.memory_space<vmem>>, vector<16xf32>,
        %get3A_230 = arith.index_cast %add3A_209 : i32 to index
        %get3A_231 = arith.constant 32 : index
        %get3A_232 = tpu.vector_load %arg9[%get3A_230, %get3A_231] {strides = array<i32>} : memref<128x64xf32, #tpu.memory_space<vmem>>, vector<16xf32>,
        %mul3A_233 = arith.constant 8.000000e+00 : f32
        %mul3A_234 = vector.broadcast %mul3A_233 : f32 to vector<16xf32>
        %mul3A_235 = arith.mulf %get3A_232, %mul3A_234 : vector<16xf32>
        %add3A_236 = arith.addf %mul3A_235, %get3A_92 : vector<16xf32>
        %swap3A_237 = arith.index_cast %add3A_209 : i32 to index
        %swap3A_238 = arith.constant 32 : index
        %swap3A_239 = tpu.vector_load %arg11[%swap3A_237, %swap3A_238] {strides = array<i32>} : memref<128x64xf32, #tpu.memory_space<vmem>>, vector<16xf32>,
        tpu.vector_store %arg11[%swap3A_237, %swap3A_238], %add3A_236 {strides = array<i32>} : memref<128x64xf32, #tpu.memory_space<vmem>>, vector<16xf32>,
        %get3A_240 = arith.index_cast %add3A_209 : i32 to index
        %get3A_241 = arith.constant 48 : index
        %get3A_242 = tpu.vector_load %arg9[%get3A_240, %get3A_241] {strides = array<i32>} : memref<128x64xf32, #tpu.memory_space<vmem>>, vector<16xf32>,
        %mul3A_243 = arith.constant 8.000000e+00 : f32
        %mul3A_244 = vector.broadcast %mul3A_243 : f32 to vector<16xf32>
        %mul3A_245 = arith.mulf %get3A_242, %mul3A_244 : vector<16xf32>
        %add3A_246 = arith.addf %mul3A_245, %get3A_95 : vector<16xf32>
        %swap3A_247 = arith.index_cast %add3A_209 : i32 to index
        %swap3A_248 = arith.constant 48 : index
        %swap3A_249 = tpu.vector_load %arg11[%swap3A_247, %swap3A_248] {strides = array<i32>} : memref<128x64xf32, #tpu.memory_space<vmem>>, vector<16xf32>,
        tpu.vector_store %arg11[%swap3A_247, %swap3A_248], %add3A_246 {strides = array<i32>} : memref<128x64xf32, #tpu.memory_space<vmem>>, vector<16xf32>,
        %mul3A_250 = arith.constant 8 : i32
        %mul3A_251 = arith.muli %scan3A_117, %mul3A_250 : i32
        %add3A_252 = arith.constant 3 : i32
        %add3A_253 = arith.addi %mul3A_251, %add3A_252 : i32
        %get3A_254 = arith.index_cast %add3A_253 : i32 to index
        %get3A_255 = arith.constant 0 : index
        %get3A_256 = tpu.vector_load %arg9[%get3A_254, %get3A_255] {strides = array<i32>} : memref<128x64xf32, #tpu.memory_space<vmem>>, vector<16xf32>,
        %mul3A_257 = arith.constant 8.000000e+00 : f32
        %mul3A_258 = vector.broadcast %mul3A_257 : f32 to vector<16xf32>
        %mul3A_259 = arith.mulf %get3A_256, %mul3A_258 : vector<16xf32>
        %add3A_260 = arith.addf %mul3A_259, %get3A_86 : vector<16xf32>
        %swap3A_261 = arith.index_cast %add3A_253 : i32 to index
        %swap3A_262 = arith.constant 0 : index
        %swap3A_263 = tpu.vector_load %arg11[%swap3A_261, %swap3A_262] {strides = array<i32>} : memref<128x64xf32, #tpu.memory_space<vmem>>, vector<16xf32>,
        tpu.vector_store %arg11[%swap3A_261, %swap3A_262], %add3A_260 {strides = array<i32>} : memref<128x64xf32, #tpu.memory_space<vmem>>, vector<16xf32>,
        %get3A_264 = arith.index_cast %add3A_253 : i32 to index
        %get3A_265 = arith.constant 16 : index
        %get3A_266 = tpu.vector_load %arg9[%get3A_264, %get3A_265] {strides = array<i32>} : memref<128x64xf32, #tpu.memory_space<vmem>>, vector<16xf32>,
        %mul3A_267 = arith.constant 8.000000e+00 : f32
        %mul3A_268 = vector.broadcast %mul3A_267 : f32 to vector<16xf32>
        %mul3A_269 = arith.mulf %get3A_266, %mul3A_268 : vector<16xf32>
        %add3A_270 = arith.addf %mul3A_269, %get3A_89 : vector<16xf32>
        %swap3A_271 = arith.index_cast %add3A_253 : i32 to index
        %swap3A_272 = arith.constant 16 : index
        %swap3A_273 = tpu.vector_load %arg11[%swap3A_271, %swap3A_272] {strides = array<i32>} : memref<128x64xf32, #tpu.memory_space<vmem>>, vector<16xf32>,
        tpu.vector_store %arg11[%swap3A_271, %swap3A_272], %add3A_270 {strides = array<i32>} : memref<128x64xf32, #tpu.memory_space<vmem>>, vector<16xf32>,
        %get3A_274 = arith.index_cast %add3A_253 : i32 to index
        %get3A_275 = arith.constant 32 : index
        %get3A_276 = tpu.vector_load %arg9[%get3A_274, %get3A_275] {strides = array<i32>} : memref<128x64xf32, #tpu.memory_space<vmem>>, vector<16xf32>,
        %mul3A_277 = arith.constant 8.000000e+00 : f32
        %mul3A_278 = vector.broadcast %mul3A_277 : f32 to vector<16xf32>
        %mul3A_279 = arith.mulf %get3A_276, %mul3A_278 : vector<16xf32>
        %add3A_280 = arith.addf %mul3A_279, %get3A_92 : vector<16xf32>
        %swap3A_281 = arith.index_cast %add3A_253 : i32 to index
        %swap3A_282 = arith.constant 32 : index
        %swap3A_283 = tpu.vector_load %arg11[%swap3A_281, %swap3A_282] {strides = array<i32>} : memref<128x64xf32, #tpu.memory_space<vmem>>, vector<16xf32>,
        tpu.vector_store %arg11[%swap3A_281, %swap3A_282], %add3A_280 {strides = array<i32>} : memref<128x64xf32, #tpu.memory_space<vmem>>, vector<16xf32>,
        %get3A_284 = arith.index_cast %add3A_253 : i32 to index
        %get3A_285 = arith.constant 48 : index
        %get3A_286 = tpu.vector_load %arg9[%get3A_284, %get3A_285] {strides = array<i32>} : memref<128x64xf32, #tpu.memory_space<vmem>>, vector<16xf32>,
        %mul3A_287 = arith.constant 8.000000e+00 : f32
        %mul3A_288 = vector.broadcast %mul3A_287 : f32 to vector<16xf32>
        %mul3A_289 = arith.mulf %get3A_286, %mul3A_288 : vector<16xf32>
        %add3A_290 = arith.addf %mul3A_289, %get3A_95 : vector<16xf32>
        %swap3A_291 = arith.index_cast %add3A_253 : i32 to index
        %swap3A_292 = arith.constant 48 : index
        %swap3A_293 = tpu.vector_load %arg11[%swap3A_291, %swap3A_292] {strides = array<i32>} : memref<128x64xf32, #tpu.memory_space<vmem>>, vector<16xf32>,
        tpu.vector_store %arg11[%swap3A_291, %swap3A_292], %add3A_290 {strides = array<i32>} : memref<128x64xf32, #tpu.memory_space<vmem>>, vector<16xf32>,
        %mul3A_294 = arith.constant 8 : i32
        %mul3A_295 = arith.muli %scan3A_117, %mul3A_294 : i32
        %add3A_296 = arith.constant 4 : i32
        %add3A_297 = arith.addi %mul3A_295, %add3A_296 : i32
        %get3A_298 = arith.index_cast %add3A_297 : i32 to index
        %get3A_299 = arith.constant 0 : index
        %get3A_300 = tpu.vector_load %arg9[%get3A_298, %get3A_299] {strides = array<i32>} : memref<128x64xf32, #tpu.memory_space<vmem>>, vector<16xf32>,
        %mul3A_301 = arith.constant 8.000000e+00 : f32
        %mul3A_302 = vector.broadcast %mul3A_301 : f32 to vector<16xf32>
        %mul3A_303 = arith.mulf %get3A_300, %mul3A_302 : vector<16xf32>
        %add3A_304 = arith.addf %mul3A_303, %get3A_86 : vector<16xf32>
        %swap3A_305 = arith.index_cast %add3A_297 : i32 to index
        %swap3A_306 = arith.constant 0 : index
        %swap3A_307 = tpu.vector_load %arg11[%swap3A_305, %swap3A_306] {strides = array<i32>} : memref<128x64xf32, #tpu.memory_space<vmem>>, vector<16xf32>,
        tpu.vector_store %arg11[%swap3A_305, %swap3A_306], %add3A_304 {strides = array<i32>} : memref<128x64xf32, #tpu.memory_space<vmem>>, vector<16xf32>,
        %get3A_308 = arith.index_cast %add3A_297 : i32 to index
        %get3A_309 = arith.constant 16 : index
        %get3A_310 = tpu.vector_load %arg9[%get3A_308, %get3A_309] {strides = array<i32>} : memref<128x64xf32, #tpu.memory_space<vmem>>, vector<16xf32>,
        %mul3A_311 = arith.constant 8.000000e+00 : f32
        %mul3A_312 = vector.broadcast %mul3A_311 : f32 to vector<16xf32>
        %mul3A_313 = arith.mulf %get3A_310, %mul3A_312 : vector<16xf32>
        %add3A_314 = arith.addf %mul3A_313, %get3A_89 : vector<16xf32>
        %swap3A_315 = arith.index_cast %add3A_297 : i32 to index
        %swap3A_316 = arith.constant 16 : index
        %swap3A_317 = tpu.vector_load %arg11[%swap3A_315, %swap3A_316] {strides = array<i32>} : memref<128x64xf32, #tpu.memory_space<vmem>>, vector<16xf32>,
        tpu.vector_store %arg11[%swap3A_315, %swap3A_316], %add3A_314 {strides = array<i32>} : memref<128x64xf32, #tpu.memory_space<vmem>>, vector<16xf32>,
        %get3A_318 = arith.index_cast %add3A_297 : i32 to index
        %get3A_319 = arith.constant 32 : index
        %get3A_320 = tpu.vector_load %arg9[%get3A_318, %get3A_319] {strides = array<i32>} : memref<128x64xf32, #tpu.memory_space<vmem>>, vector<16xf32>,
        %mul3A_321 = arith.constant 8.000000e+00 : f32
        %mul3A_322 = vector.broadcast %mul3A_321 : f32 to vector<16xf32>
        %mul3A_323 = arith.mulf %get3A_320, %mul3A_322 : vector<16xf32>
        %add3A_324 = arith.addf %mul3A_323, %get3A_92 : vector<16xf32>
        %swap3A_325 = arith.index_cast %add3A_297 : i32 to index
        %swap3A_326 = arith.constant 32 : index
        %swap3A_327 = tpu.vector_load %arg11[%swap3A_325, %swap3A_326] {strides = array<i32>} : memref<128x64xf32, #tpu.memory_space<vmem>>, vector<16xf32>,
        tpu.vector_store %arg11[%swap3A_325, %swap3A_326], %add3A_324 {strides = array<i32>} : memref<128x64xf32, #tpu.memory_space<vmem>>, vector<16xf32>,
        %get3A_328 = arith.index_cast %add3A_297 : i32 to index
        %get3A_329 = arith.constant 48 : index
        %get3A_330 = tpu.vector_load %arg9[%get3A_328, %get3A_329] {strides = array<i32>} : memref<128x64xf32, #tpu.memory_space<vmem>>, vector<16xf32>,
        %mul3A_331 = arith.constant 8.000000e+00 : f32
        %mul3A_332 = vector.broadcast %mul3A_331 : f32 to vector<16xf32>
        %mul3A_333 = arith.mulf %get3A_330, %mul3A_332 : vector<16xf32>
        %add3A_334 = arith.addf %mul3A_333, %get3A_95 : vector<16xf32>
        %swap3A_335 = arith.index_cast %add3A_297 : i32 to index
        %swap3A_336 = arith.constant 48 : index
        %swap3A_337 = tpu.vector_load %arg11[%swap3A_335, %swap3A_336] {strides = array<i32>} : memref<128x64xf32, #tpu.memory_space<vmem>>, vector<16xf32>,
        tpu.vector_store %arg11[%swap3A_335, %swap3A_336], %add3A_334 {strides = array<i32>} : memref<128x64xf32, #tpu.memory_space<vmem>>, vector<16xf32>,
        %mul3A_338 = arith.constant 8 : i32
        %mul3A_339 = arith.muli %scan3A_117, %mul3A_338 : i32
        %add3A_340 = arith.constant 5 : i32
        %add3A_341 = arith.addi %mul3A_339, %add3A_340 : i32
        %get3A_342 = arith.index_cast %add3A_341 : i32 to index
        %get3A_343 = arith.constant 0 : index
        %get3A_344 = tpu.vector_load %arg9[%get3A_342, %get3A_343] {strides = array<i32>} : memref<128x64xf32, #tpu.memory_space<vmem>>, vector<16xf32>,
        %mul3A_345 = arith.constant 8.000000e+00 : f32
        %mul3A_346 = vector.broadcast %mul3A_345 : f32 to vector<16xf32>
        %mul3A_347 = arith.mulf %get3A_344, %mul3A_346 : vector<16xf32>
        %add3A_348 = arith.addf %mul3A_347, %get3A_86 : vector<16xf32>
        %swap3A_349 = arith.index_cast %add3A_341 : i32 to index
        %swap3A_350 = arith.constant 0 : index
        %swap3A_351 = tpu.vector_load %arg11[%swap3A_349, %swap3A_350] {strides = array<i32>} : memref<128x64xf32, #tpu.memory_space<vmem>>, vector<16xf32>,
        tpu.vector_store %arg11[%swap3A_349, %swap3A_350], %add3A_348 {strides = array<i32>} : memref<128x64xf32, #tpu.memory_space<vmem>>, vector<16xf32>,
        %get3A_352 = arith.index_cast %add3A_341 : i32 to index
        %get3A_353 = arith.constant 16 : index
        %get3A_354 = tpu.vector_load %arg9[%get3A_352, %get3A_353] {strides = array<i32>} : memref<128x64xf32, #tpu.memory_space<vmem>>, vector<16xf32>,
        %mul3A_355 = arith.constant 8.000000e+00 : f32
        %mul3A_356 = vector.broadcast %mul3A_355 : f32 to vector<16xf32>
        %mul3A_357 = arith.mulf %get3A_354, %mul3A_356 : vector<16xf32>
        %add3A_358 = arith.addf %mul3A_357, %get3A_89 : vector<16xf32>
        %swap3A_359 = arith.index_cast %add3A_341 : i32 to index
        %swap3A_360 = arith.constant 16 : index
        %swap3A_361 = tpu.vector_load %arg11[%swap3A_359, %swap3A_360] {strides = array<i32>} : memref<128x64xf32, #tpu.memory_space<vmem>>, vector<16xf32>,
        tpu.vector_store %arg11[%swap3A_359, %swap3A_360], %add3A_358 {strides = array<i32>} : memref<128x64xf32, #tpu.memory_space<vmem>>, vector<16xf32>,
        %get3A_362 = arith.index_cast %add3A_341 : i32 to index
        %get3A_363 = arith.constant 32 : index
        %get3A_364 = tpu.vector_load %arg9[%get3A_362, %get3A_363] {strides = array<i32>} : memref<128x64xf32, #tpu.memory_space<vmem>>, vector<16xf32>,
        %mul3A_365 = arith.constant 8.000000e+00 : f32
        %mul3A_366 = vector.broadcast %mul3A_365 : f32 to vector<16xf32>
        %mul3A_367 = arith.mulf %get3A_364, %mul3A_366 : vector<16xf32>
        %add3A_368 = arith.addf %mul3A_367, %get3A_92 : vector<16xf32>
        %swap3A_369 = arith.index_cast %add3A_341 : i32 to index
        %swap3A_370 = arith.constant 32 : index
        %swap3A_371 = tpu.vector_load %arg11[%swap3A_369, %swap3A_370] {strides = array<i32>} : memref<128x64xf32, #tpu.memory_space<vmem>>, vector<16xf32>,
        tpu.vector_store %arg11[%swap3A_369, %swap3A_370], %add3A_368 {strides = array<i32>} : memref<128x64xf32, #tpu.memory_space<vmem>>, vector<16xf32>,
        %get3A_372 = arith.index_cast %add3A_341 : i32 to index
        %get3A_373 = arith.constant 48 : index
        %get3A_374 = tpu.vector_load %arg9[%get3A_372, %get3A_373] {strides = array<i32>} : memref<128x64xf32, #tpu.memory_space<vmem>>, vector<16xf32>,
        %mul3A_375 = arith.constant 8.000000e+00 : f32
        %mul3A_376 = vector.broadcast %mul3A_375 : f32 to vector<16xf32>
        %mul3A_377 = arith.mulf %get3A_374, %mul3A_376 : vector<16xf32>
        %add3A_378 = arith.addf %mul3A_377, %get3A_95 : vector<16xf32>
        %swap3A_379 = arith.index_cast %add3A_341 : i32 to index
        %swap3A_380 = arith.constant 48 : index
        %swap3A_381 = tpu.vector_load %arg11[%swap3A_379, %swap3A_380] {strides = array<i32>} : memref<128x64xf32, #tpu.memory_space<vmem>>, vector<16xf32>,
        tpu.vector_store %arg11[%swap3A_379, %swap3A_380], %add3A_378 {strides = array<i32>} : memref<128x64xf32, #tpu.memory_space<vmem>>, vector<16xf32>,
        %mul3A_382 = arith.constant 8 : i32
        %mul3A_383 = arith.muli %scan3A_117, %mul3A_382 : i32
        %add3A_384 = arith.constant 6 : i32
        %add3A_385 = arith.addi %mul3A_383, %add3A_384 : i32
        %get3A_386 = arith.index_cast %add3A_385 : i32 to index
        %get3A_387 = arith.constant 0 : index
        %get3A_388 = tpu.vector_load %arg9[%get3A_386, %get3A_387] {strides = array<i32>} : memref<128x64xf32, #tpu.memory_space<vmem>>, vector<16xf32>,
        %mul3A_389 = arith.constant 8.000000e+00 : f32
        %mul3A_390 = vector.broadcast %mul3A_389 : f32 to vector<16xf32>
        %mul3A_391 = arith.mulf %get3A_388, %mul3A_390 : vector<16xf32>
        %add3A_392 = arith.addf %mul3A_391, %get3A_86 : vector<16xf32>
        %swap3A_393 = arith.index_cast %add3A_385 : i32 to index
        %swap3A_394 = arith.constant 0 : index
        %swap3A_395 = tpu.vector_load %arg11[%swap3A_393, %swap3A_394] {strides = array<i32>} : memref<128x64xf32, #tpu.memory_space<vmem>>, vector<16xf32>,
        tpu.vector_store %arg11[%swap3A_393, %swap3A_394], %add3A_392 {strides = array<i32>} : memref<128x64xf32, #tpu.memory_space<vmem>>, vector<16xf32>,
        %get3A_396 = arith.index_cast %add3A_385 : i32 to index
        %get3A_397 = arith.constant 16 : index
        %get3A_398 = tpu.vector_load %arg9[%get3A_396, %get3A_397] {strides = array<i32>} : memref<128x64xf32, #tpu.memory_space<vmem>>, vector<16xf32>,
        %mul3A_399 = arith.constant 8.000000e+00 : f32
        %mul3A_400 = vector.broadcast %mul3A_399 : f32 to vector<16xf32>
        %mul3A_401 = arith.mulf %get3A_398, %mul3A_400 : vector<16xf32>
        %add3A_402 = arith.addf %mul3A_401, %get3A_89 : vector<16xf32>
        %swap3A_403 = arith.index_cast %add3A_385 : i32 to index
        %swap3A_404 = arith.constant 16 : index
        %swap3A_405 = tpu.vector_load %arg11[%swap3A_403, %swap3A_404] {strides = array<i32>} : memref<128x64xf32, #tpu.memory_space<vmem>>, vector<16xf32>,
        tpu.vector_store %arg11[%swap3A_403, %swap3A_404], %add3A_402 {strides = array<i32>} : memref<128x64xf32, #tpu.memory_space<vmem>>, vector<16xf32>,
        %get3A_406 = arith.index_cast %add3A_385 : i32 to index
        %get3A_407 = arith.constant 32 : index
        %get3A_408 = tpu.vector_load %arg9[%get3A_406, %get3A_407] {strides = array<i32>} : memref<128x64xf32, #tpu.memory_space<vmem>>, vector<16xf32>,
        %mul3A_409 = arith.constant 8.000000e+00 : f32
        %mul3A_410 = vector.broadcast %mul3A_409 : f32 to vector<16xf32>
        %mul3A_411 = arith.mulf %get3A_408, %mul3A_410 : vector<16xf32>
        %add3A_412 = arith.addf %mul3A_411, %get3A_92 : vector<16xf32>
        %swap3A_413 = arith.index_cast %add3A_385 : i32 to index
        %swap3A_414 = arith.constant 32 : index
        %swap3A_415 = tpu.vector_load %arg11[%swap3A_413, %swap3A_414] {strides = array<i32>} : memref<128x64xf32, #tpu.memory_space<vmem>>, vector<16xf32>,
        tpu.vector_store %arg11[%swap3A_413, %swap3A_414], %add3A_412 {strides = array<i32>} : memref<128x64xf32, #tpu.memory_space<vmem>>, vector<16xf32>,
        %get3A_416 = arith.index_cast %add3A_385 : i32 to index
        %get3A_417 = arith.constant 48 : index
        %get3A_418 = tpu.vector_load %arg9[%get3A_416, %get3A_417] {strides = array<i32>} : memref<128x64xf32, #tpu.memory_space<vmem>>, vector<16xf32>,
        %mul3A_419 = arith.constant 8.000000e+00 : f32
        %mul3A_420 = vector.broadcast %mul3A_419 : f32 to vector<16xf32>
        %mul3A_421 = arith.mulf %get3A_418, %mul3A_420 : vector<16xf32>
        %add3A_422 = arith.addf %mul3A_421, %get3A_95 : vector<16xf32>
        %swap3A_423 = arith.index_cast %add3A_385 : i32 to index
        %swap3A_424 = arith.constant 48 : index
        %swap3A_425 = tpu.vector_load %arg11[%swap3A_423, %swap3A_424] {strides = array<i32>} : memref<128x64xf32, #tpu.memory_space<vmem>>, vector<16xf32>,
        tpu.vector_store %arg11[%swap3A_423, %swap3A_424], %add3A_422 {strides = array<i32>} : memref<128x64xf32, #tpu.memory_space<vmem>>, vector<16xf32>,
        %mul3A_426 = arith.constant 8 : i32
        %mul3A_427 = arith.muli %scan3A_117, %mul3A_426 : i32
        %add3A_428 = arith.constant 7 : i32
        %add3A_429 = arith.addi %mul3A_427, %add3A_428 : i32
        %get3A_430 = arith.index_cast %add3A_429 : i32 to index
        %get3A_431 = arith.constant 0 : index
        %get3A_432 = tpu.vector_load %arg9[%get3A_430, %get3A_431] {strides = array<i32>} : memref<128x64xf32, #tpu.memory_space<vmem>>, vector<16xf32>,
        %mul3A_433 = arith.constant 8.000000e+00 : f32
        %mul3A_434 = vector.broadcast %mul3A_433 : f32 to vector<16xf32>
        %mul3A_435 = arith.mulf %get3A_432, %mul3A_434 : vector<16xf32>
        %add3A_436 = arith.addf %mul3A_435, %get3A_86 : vector<16xf32>
        %swap3A_437 = arith.index_cast %add3A_429 : i32 to index
        %swap3A_438 = arith.constant 0 : index
        %swap3A_439 = tpu.vector_load %arg11[%swap3A_437, %swap3A_438] {strides = array<i32>} : memref<128x64xf32, #tpu.memory_space<vmem>>, vector<16xf32>,
        tpu.vector_store %arg11[%swap3A_437, %swap3A_438], %add3A_436 {strides = array<i32>} : memref<128x64xf32, #tpu.memory_space<vmem>>, vector<16xf32>,
        %get3A_440 = arith.index_cast %add3A_429 : i32 to index
        %get3A_441 = arith.constant 16 : index
        %get3A_442 = tpu.vector_load %arg9[%get3A_440, %get3A_441] {strides = array<i32>} : memref<128x64xf32, #tpu.memory_space<vmem>>, vector<16xf32>,
        %mul3A_443 = arith.constant 8.000000e+00 : f32
        %mul3A_444 = vector.broadcast %mul3A_443 : f32 to vector<16xf32>
        %mul3A_445 = arith.mulf %get3A_442, %mul3A_444 : vector<16xf32>
        %add3A_446 = arith.addf %mul3A_445, %get3A_89 : vector<16xf32>
        %swap3A_447 = arith.index_cast %add3A_429 : i32 to index
        %swap3A_448 = arith.constant 16 : index
        %swap3A_449 = tpu.vector_load %arg11[%swap3A_447, %swap3A_448] {strides = array<i32>} : memref<128x64xf32, #tpu.memory_space<vmem>>, vector<16xf32>,
        tpu.vector_store %arg11[%swap3A_447, %swap3A_448], %add3A_446 {strides = array<i32>} : memref<128x64xf32, #tpu.memory_space<vmem>>, vector<16xf32>,
        %get3A_450 = arith.index_cast %add3A_429 : i32 to index
        %get3A_451 = arith.constant 32 : index
        %get3A_452 = tpu.vector_load %arg9[%get3A_450, %get3A_451] {strides = array<i32>} : memref<128x64xf32, #tpu.memory_space<vmem>>, vector<16xf32>,
        %mul3A_453 = arith.constant 8.000000e+00 : f32
        %mul3A_454 = vector.broadcast %mul3A_453 : f32 to vector<16xf32>
        %mul3A_455 = arith.mulf %get3A_452, %mul3A_454 : vector<16xf32>
        %add3A_456 = arith.addf %mul3A_455, %get3A_92 : vector<16xf32>
        %swap3A_457 = arith.index_cast %add3A_429 : i32 to index
        %swap3A_458 = arith.constant 32 : index
        %swap3A_459 = tpu.vector_load %arg11[%swap3A_457, %swap3A_458] {strides = array<i32>} : memref<128x64xf32, #tpu.memory_space<vmem>>, vector<16xf32>,
        tpu.vector_store %arg11[%swap3A_457, %swap3A_458], %add3A_456 {strides = array<i32>} : memref<128x64xf32, #tpu.memory_space<vmem>>, vector<16xf32>,
        %get3A_460 = arith.index_cast %add3A_429 : i32 to index
        %get3A_461 = arith.constant 48 : index
        %get3A_462 = tpu.vector_load %arg9[%get3A_460, %get3A_461] {strides = array<i32>} : memref<128x64xf32, #tpu.memory_space<vmem>>, vector<16xf32>,
        %mul3A_463 = arith.constant 8.000000e+00 : f32
        %mul3A_464 = vector.broadcast %mul3A_463 : f32 to vector<16xf32>
        %mul3A_465 = arith.mulf %get3A_462, %mul3A_464 : vector<16xf32>
        %add3A_466 = arith.addf %mul3A_465, %get3A_95 : vector<16xf32>
        %swap3A_467 = arith.index_cast %add3A_429 : i32 to index
        %swap3A_468 = arith.constant 48 : index
        %swap3A_469 = tpu.vector_load %arg11[%swap3A_467, %swap3A_468] {strides = array<i32>} : memref<128x64xf32, #tpu.memory_space<vmem>>, vector<16xf32>,
        tpu.vector_store %arg11[%swap3A_467, %swap3A_468], %add3A_466 {strides = array<i32>} : memref<128x64xf32, #tpu.memory_space<vmem>>, vector<16xf32>,
        %scan3A_470 = arith.constant 0 : i32
        scf.yield %scan3A_470 : i32
      }
      %scan3A_102 = arith.constant 16 : i32
      %add3A_103 = arith.constant 2 : i32
      %add3A_104 = arith.addi %add3A_75, %add3A_103 : i32
      %lt3A_105 = arith.constant 200 : i32
      %lt3A_106 = arith.cmpi slt, %add3A_104, %lt3A_105 : i32
      %convert_element_type3A_107 = arith.extui %lt3A_106 : i1 to i32
      %cond3A_108 = arith.constant 0 : i32
      %cond3A_109 = arith.cmpi ne, %convert_element_type3A_107, %cond3A_108 : i32
      scf.if %cond3A_109 {
        %add3A_117 = arith.constant 2 : i32
        %add3A_118 = arith.addi %add3A_75, %add3A_117 : i32
        %mul3A_119 = arith.constant 4096 : i32
        %mul3A_120 = arith.muli %add3A_118, %mul3A_119 : i32
        %add3A_121 = arith.addi %mul3A_120, %mul3A_2 : i32
        "tpu.region"() ({
          %run_scoped3A = tpu.sem_alloc : memref<!tpu.dma_semaphore, #tpu.memory_space<semaphore_mem>>
          %dma_start3A_125 = tpu.memref_slice %arg2[%add3A_121] : memref<819200xi32, #tpu.memory_space<hbm>> -> memref<128xi32, #tpu.memory_space<hbm>>
          %dma_start3A_126 = tpu.memref_slice %arg2[%add3A_121] : memref<819200xi32, #tpu.memory_space<hbm>> -> memref<128xi32, #tpu.memory_space<hbm>>
          tpu.enqueue_dma source(%dma_start3A_126 : memref<128xi32, #tpu.memory_space<hbm>>) target(%arg7 : memref<128xi32, #tpu.memory_space<vmem>>) target_semaphore(%run_scoped3A : memref<!tpu.dma_semaphore, #tpu.memory_space<semaphore_mem>>)
          %dma_wait3A_127 = tpu.memref_slice %arg2[%add3A_121] : memref<819200xi32, #tpu.memory_space<hbm>> -> memref<128xi32, #tpu.memory_space<hbm>>
          %dma_wait3A_128 = tpu.memref_slice %arg2[%add3A_121] : memref<819200xi32, #tpu.memory_space<hbm>> -> memref<128xi32, #tpu.memory_space<hbm>>
          tpu.wait_dma2 semaphore(%run_scoped3A : memref<!tpu.dma_semaphore, #tpu.memory_space<semaphore_mem>>) src(%dma_wait3A_128 : memref<128xi32, #tpu.memory_space<hbm>>) dst(%arg7 : memref<128xi32, #tpu.memory_space<vmem>>)
          tpu.yield
        }) : () -> ()
        %dma_start3A_122 = arith.constant 0 : i32
        %dma_start3A_123 = arith.constant 0 : i32
        %dma_start3A_124 = tpu.memref_slice %arg4[%dma_start3A_122, %dma_start3A_123] : memref<1000000x64xf32, #tpu.memory_space<hbm>> -> memref<1000000x64xf32, #tpu.memory_space<hbm>>
        tpu.enqueue_indirect_dma source(%dma_start3A_124 : memref<1000000x64xf32, #tpu.memory_space<hbm>>) target(%arg9 : memref<128x64xf32, #tpu.memory_space<vmem>>) offsets(%arg7 : memref<128xi32, #tpu.memory_space<vmem>>) semaphore(%arg14 : memref<!tpu.dma_semaphore, #tpu.memory_space<semaphore_mem>>)
      } else {
      }
      %dma_start3A_110 = arith.constant 0 : i32
      %dma_start3A_111 = tpu.memref_slice %arg5[%mul3A_2, %add3A_75, %dma_start3A_110] : memref<4096x200x64xf32, #tpu.memory_space<hbm>> -> memref<128x1x64xf32, #tpu.memory_space<hbm>>
      %dma_start3A_112 = tpu.memref_squeeze %dma_start3A_111 : memref<128x1x64xf32, #tpu.memory_space<hbm>> -> memref<128x64xf32, #tpu.memory_space<hbm>>
      %dma_start3A_113 = arith.constant 0 : i32
      %dma_start3A_114 = tpu.memref_slice %arg5[%mul3A_2, %add3A_75, %dma_start3A_113] : memref<4096x200x64xf32, #tpu.memory_space<hbm>> -> memref<128x1x64xf32, #tpu.memory_space<hbm>>
      %dma_start3A_115 = tpu.memref_squeeze %dma_start3A_114 : memref<128x1x64xf32, #tpu.memory_space<hbm>> -> memref<128x64xf32, #tpu.memory_space<hbm>>
      tpu.enqueue_dma source(%arg11 : memref<128x64xf32, #tpu.memory_space<vmem>>) target(%dma_start3A_115 : memref<128x64xf32, #tpu.memory_space<hbm>>) target_semaphore(%arg16 : memref<!tpu.dma_semaphore, #tpu.memory_space<semaphore_mem>>)
      %scan3A_116 = arith.constant 0 : i32
      scf.yield %scan3A_116 : i32
    }
    %scan3A_17 = arith.constant 100 : i32
    %dma_wait3A = arith.constant 198 : i32
    %dma_wait3A_18 = arith.constant 0 : i32
    %dma_wait3A_19 = tpu.memref_slice %arg5[%mul3A_2, %dma_wait3A, %dma_wait3A_18] : memref<4096x200x64xf32, #tpu.memory_space<hbm>> -> memref<128x1x64xf32, #tpu.memory_space<hbm>>
    %dma_wait3A_20 = tpu.memref_squeeze %dma_wait3A_19 : memref<128x1x64xf32, #tpu.memory_space<hbm>> -> memref<128x64xf32, #tpu.memory_space<hbm>>
    %dma_wait3A_21 = arith.constant 0 : i32
    %dma_wait3A_22 = tpu.memref_slice %arg5[%mul3A_2, %dma_wait3A, %dma_wait3A_21] : memref<4096x200x64xf32, #tpu.memory_space<hbm>> -> memref<128x1x64xf32, #tpu.memory_space<hbm>>
    %dma_wait3A_23 = tpu.memref_squeeze %dma_wait3A_22 : memref<128x1x64xf32, #tpu.memory_space<hbm>> -> memref<128x64xf32, #tpu.memory_space<hbm>>
    tpu.wait_dma2 semaphore(%arg15 : memref<!tpu.dma_semaphore, #tpu.memory_space<semaphore_mem>>) src(%arg10 : memref<128x64xf32, #tpu.memory_space<vmem>>) dst(%dma_wait3A_23 : memref<128x64xf32, #tpu.memory_space<hbm>>)
    %dma_wait3A_24 = arith.constant 199 : i32
    %dma_wait3A_25 = arith.constant 0 : i32
    %dma_wait3A_26 = tpu.memref_slice %arg5[%mul3A_2, %dma_wait3A_24, %dma_wait3A_25] : memref<4096x200x64xf32, #tpu.memory_space<hbm>> -> memref<128x1x64xf32, #tpu.memory_space<hbm>>
    %dma_wait3A_27 = tpu.memref_squeeze %dma_wait3A_26 : memref<128x1x64xf32, #tpu.memory_space<hbm>> -> memref<128x64xf32, #tpu.memory_space<hbm>>
    %dma_wait3A_28 = arith.constant 0 : i32
    %dma_wait3A_29 = tpu.memref_slice %arg5[%mul3A_2, %dma_wait3A_24, %dma_wait3A_28] : memref<4096x200x64xf32, #tpu.memory_space<hbm>> -> memref<128x1x64xf32, #tpu.memory_space<hbm>>
    %dma_wait3A_30 = tpu.memref_squeeze %dma_wait3A_29 : memref<128x1x64xf32, #tpu.memory_space<hbm>> -> memref<128x64xf32, #tpu.memory_space<hbm>>
    tpu.wait_dma2 semaphore(%arg16 : memref<!tpu.dma_semaphore, #tpu.memory_space<semaphore_mem>>) src(%arg11 : memref<128x64xf32, #tpu.memory_space<vmem>>) dst(%dma_wait3A_30 : memref<128x64xf32, #tpu.memory_space<hbm>>)
    return
  }
}

</mosaic_0001>

<sc_bundles>
// kernel: _sc_embed.3.cloned.1.call-start
scs
__scs_entry_jumppad:
0x0: {  	(pc) =	sbr.rel $0x88, $3  }
0x1: {  	(tag) =	ssettag $0x0;
	lr =	simm.s32 $0x1  }
0x2: {  	[smem:$0x3F9E] =	sst lr;
	_ =	strace $0xD0000000  }
0x3: {  	_ = 	snop  }
0x4: {  	_ = 	snop  }
0x5: {  	_ = 	snop  }
0x6: {  	_ = 	snop  }
0x7: {  	_ = 	snop  }
__scs_overlays_trampoline_lowered:
0x8: {  	[smem:$0x3FAD] =	sst s0  }
0x9: {  	[smem:$0x3FAE] =	sst s1  }
0xa: {  	[smem:$0x3FAF] =	sst s2  }
0xb: {  	[smem:$0x3FB0] =	sst s3  }
0xc: {  	[smem:$0x3FB1] =	sst s4  }
0xd: {  	[smem:$0x3FB2] =	sst s5  }
0xe: {  	[smem:$0x3FB3] =	sst s6  }
0xf: {  	[smem:$0x3FB4] =	sst s7  }
0x10: {  	[smem:$0x3FB5] =	sst s8  }
0x11: {  	[smem:$0x3FB6] =	sst s9;
	s0 =	simm.s32 @!p0 $0x0  }
0x12: {  	s1 =	sld [smem:$0x3F9C];
	s0 =	simm.s32 @p0 $0x1  }
0x13: {  	[smem:$0x3FB7] =	sst s0;
	s0 =	simm.s32 @!p1 $0x0  }
0x14: {  	s2 =	sld [smem:$0x3F9B];
	s0 =	simm.s32 @p1 $0x1  }
0x15: {  	[smem:$0x3FB8] =	sst s0;
	s0 =	simm.s32 @!p2 $0x0  }
0x16: {  	s3 =	sld [smem:$0x3FDB];
	s0 =	simm.s32 @p2 $0x1  }
0x17: {  	s4 =	simm.s32 $0x1BF5;
	[smem:$0x3FBA] =	sst s0  }
0x18: {  	s0 =	sld [smem:$0x3F9D];
	_ =	swait.ge [sflag:s4], $0x0  }
0x19: {  	s7 =	sld [smem:$0x3F9E]  }
0x1a: {  	s8 =	sadd.s32 $0xFFFFE003, lr  }
0x1b: {  	s9 =	sadd.s32 $0xFFFFFEF7, lr;
	s5 =	simm.s32 $0xFFFFFFFF;
	p2 =	slt.u32 s8, $0xFFFFF086  }
0x1c: {  	p1 =	slt.u32 s9, $0xF7A;
	s5 =	simm.s32 @!p2 $0x0  }
0x1d: {  	s5 =	simm.s32 @p1 $0x1;
	p0 =	seq.s32 s7, s2  }
0x1e: {  	s7 =	smul.u32 @!p0 $0xF7A, s2;
	p2 =	seq.s32 @!p0 s5, $0x0  }
0x1f: {  	s9 =	smul.u32 $0xF7A, s1;
	s8 =	simm.s32 @!p0 $0x1BF5;
	p2 =	por !p2, p0  }
0x20: {  	[sflag:s8] =	ssyncset.s32 @!p0 $0xFFFFF086;
	s6 =	sadd.s32 @!p0 s3, s7;
	s7 =	simm.s32 @!p0 $0x108  }
0x21: {  	s3 =	sadd.s32 s3, s9;
	s6 =	sadd.s32 @!p0 $0x88, s6;
	s7 =	simm.s32 @p2 $0x1082  }
0x22: {  	[simem:s7], [sflag:s8] =	dma.local @!p0 [hbm:s6], $0xF7A  }
0x23: {  	s9 =	sor.u32 $0xD0000000, s2;
	s6 =	simm.s32 $0x108;
	_ =	swait.ge @!p0 [sflag:s8], $0x0  }
0x24: {  	s3 =	sadd.s32 $0x88, s3;
	s6 =	simm.s32 @!p1 $0x1082;
	[sflag:s4] =	ssyncset.s32 $0xFFFFF086  }
0x25: {  	[simem:s6], [sflag:s4] =	dma.local [hbm:s3], $0xF7A  }
0x26: {  	[smem:$0x3F9E] =	sst s1;
	(tag) =	ssettag s2;
	_ =	strace s9  }
0x27: {  	s1 =	sld [smem:$0x3FAE]  }
0x28: {  	s2 =	sld [smem:$0x3FAF]  }
0x29: {  	s4 =	sld [smem:$0x3FB1]  }
0x2a: {  	p0 =	seq.s32 s5, $0x0;
	s5 =	sld [smem:$0x3FB2]  }
0x2b: {  	s6 =	sld [smem:$0x3FB3]  }
0x2c: {  	s7 =	sld [smem:$0x3FB4]  }
0x2d: {  	s3 =	simm.s32 $0x108;
	s8 =	sld [smem:$0x3FB5]  }
0x2e: {  	s3 =	simm.s32 @!p0 $0x1082;
	s9 =	sld [smem:$0x3FB6]  }
0x2f: {  	lr =	sadd.s32 s0, s3;
	s0 =	sld [smem:$0x3FAD]  }
0x30: {  	s3 =	sld [smem:$0x3FB0]  }
0x31: {  	[smem:$0x3FB9] =	sst s10  }
0x32: {  	s10 =	sld [smem:$0x3FB7];
	_ =	sdelay $0x3  }
0x33: {  	p0 =	seq.s32 s10, $0x1;
	s10 =	sld [smem:$0x3FB9];
	_ =	sdelay $0x3  }
0x34: {  	[smem:$0x3FB9] =	sst s10  }
0x35: {  	s10 =	sld [smem:$0x3FB8];
	_ =	sdelay $0x3  }
0x36: {  	p1 =	seq.s32 s10, $0x1;
	s10 =	sld [smem:$0x3FB9];
	_ =	sdelay $0x3  }
0x37: {  	[smem:$0x3FB9] =	sst s10  }
0x38: {  	s10 =	sld [smem:$0x3FBA]  }
0x39: {  	_ = 	snop;
	(pc) =	sbr.ind lr, $3  }
0x3a: {  	_ = 	snop  }
0x3b: {  	_ = 	snop  }
0x3c: {  	p2 =	seq.s32 s10, $0x1;
	s10 =	sld [smem:$0x3FB9]  }
0x3d: {  	_ =	shalt  }
0x3e: {  	_ =	shalt  }
0x3f: {  	_ =	shalt  }
0x40: {  	_ =	shalt  }
0x41: {  	_ =	shalt  }
0x42: {  	_ =	shalt  }
0x43: {  	_ =	shalt  }
0x44: {  	_ =	shalt  }
0x45: {  	_ =	shalt  }
0x46: {  	_ =	shalt  }
0x47: {  	_ =	shalt  }
0x48: {  	_ =	shalt  }
0x49: {  	_ =	shalt  }
0x4a: {  	_ =	shalt  }
0x4b: {  	_ =	shalt  }
0x4c: {  	_ =	shalt  }
0x4d: {  	_ =	shalt  }
0x4e: {  	_ =	shalt  }
0x4f: {  	_ =	shalt  }
0x50: {  	_ =	shalt  }
0x51: {  	_ =	shalt  }
0x52: {  	_ =	shalt  }
0x53: {  	_ =	shalt  }
0x54: {  	_ =	shalt  }
0x55: {  	_ =	shalt  }
0x56: {  	_ =	shalt  }
0x57: {  	_ =	shalt  }
0x58: {  	_ =	shalt  }
0x59: {  	_ =	shalt  }
0x5a: {  	_ =	shalt  }
0x5b: {  	_ =	shalt  }
0x5c: {  	_ =	shalt  }
0x5d: {  	_ =	shalt  }
0x5e: {  	_ =	shalt  }
0x5f: {  	_ =	shalt  }
0x60: {  	_ =	shalt  }
0x61: {  	_ =	shalt  }
0x62: {  	_ =	shalt  }
0x63: {  	_ =	shalt  }
0x64: {  	_ =	shalt  }
0x65: {  	_ =	shalt  }
0x66: {  	_ =	shalt  }
0x67: {  	_ =	shalt  }
0x68: {  	_ =	shalt  }
0x69: {  	_ =	shalt  }
0x6a: {  	_ =	shalt  }
0x6b: {  	_ =	shalt  }
0x6c: {  	_ =	shalt  }
0x6d: {  	_ =	shalt  }
0x6e: {  	_ =	shalt  }
0x6f: {  	_ =	shalt  }
0x70: {  	_ =	shalt  }
0x71: {  	_ =	shalt  }
0x72: {  	_ =	shalt  }
0x73: {  	_ =	shalt  }
0x74: {  	_ =	shalt  }
0x75: {  	_ =	shalt  }
0x76: {  	_ =	shalt  }
0x77: {  	_ =	shalt  }
0x78: {  	_ =	shalt  }
0x79: {  	_ =	shalt  }
0x7a: {  	_ =	shalt  }
0x7b: {  	_ =	shalt  }
0x7c: {  	_ =	shalt  }
0x7d: {  	_ =	shalt  }
0x7e: {  	_ =	shalt  }
0x7f: {  	_ =	shalt  }
0x80: {  	_ =	shalt  }
0x81: {  	_ =	shalt  }
0x82: {  	_ =	shalt  }
0x83: {  	_ =	shalt  }
0x84: {  	_ =	shalt  }
0x85: {  	_ =	shalt  }
0x86: {  	_ =	shalt  }
0x87: {  	_ =	shalt  }
.Lfunc_end0:
.L_simem_size_0:
called_computation.1_lowered:
.L_overlay_start_0:
0x88: {  	s2 =	sld [smem:$0x3FD9]  }
0x89: {  	s3 =	sld [smem:$0x3FFE];
	_ =	sdelay $0x1  }
0x8a: {  	s1 =	srdreg.scid  }
0x8b: {  	s0 =	sand.u32 $0x1, s1  }
0x8c: {  	s17 =	sshll.u32 s0, $0xA;
	s2 =	sadd.s32 s3, s2  }
0x8d: {  	s2 =	sadd.s32 s2, s17  }
0x8e: {  	[smem:$0x3FC5] =	sst s2  }
0x8f: {  	_ = 	snop  }
0x90: {  	s2 =	sld [smem:$0x3FC9]  }
0x91: {  	s18 =	sld [smem:$0x3FD0];
	(tm) =	ssettm $0x1  }
0x92: {  	s4 =	sld [smem:$0x3FFB];
	_ =	sdelay $0x3  }
0x93: {  	_ =	strace s4  }
0x94: {  	s4 =	sld [smem:$0x3FFC];
	_ =	sdelay $0x3  }
0x95: {  	_ =	strace s4  }
0x96: {  	s4 =	sld [smem:$0x3FFD];
	_ =	sdelay $0x3  }
0x97: {  	_ =	strace s4  }
0x98: {  	_ =	strace $0x8FFFFFFF  }
0x99: {  	s19 =	sld [smem:$0x3FDB];
	_ =	sdelay $0x1  }
0x9a: {  	s5 =	simm.s32 $_scs_section_size  }
0x9b: {  	s6 =	simm.s32 $_size__tile_overlayer_lowered;
	s7 =	simm.s32 $_tile_overlayer_lowered  }
0x9c: {  	s22 =	simm.s32 $0x1BFF;
	s21 =	sshll.u32 s7, $0x1;
	s4 =	sadd.s32 s5, s19  }
0x9d: {  	s8 =	simm.s32 $0x0;
	s20 =	sshll.u32 s6, $0x1;
	s6 =	sadd.s32 s21, s4  }
0x9e: {  	[timem:s8], [sflag:s22] =	dma.local [hbm:s6], s20  }
0x9f: {  	_ =	swait.ge [sflag:s22], s20  }
0xa0: {  	s5 =	ssub.s32 $0x0, s20;
	[sflag:s22] =	ssyncset.done $0x0  }
0xa1: {  	[sflag:s22] =	ssyncadd.s32 s5;
	_ =	sdelay $0x1  }
0xa2: {  	s23 =	simm.s32 $0x1B8B  }
0xa3: {  	_ =	swait.ge [sflag:s23], $0x1  }
0xa4: {  	[sflag:s23] =	ssyncset.done $0x0  }
0xa5: {  	s25 =	simm.s32 $0x1B8E;
	s24 =	sld [smem:$0x3FFE];
	[sflag:s23] =	ssyncadd.s32 $0xFFFFFFFF  }
0xa6: {  	s26 =	simm.s32 $execute0_lowered;
	[smem:$0x3FD2] =	sst s25  }
0xa7: {  	s6 =	sshll.u32 s26, $0x1;
	_ =	strace $0x80000046;
	[dreg:$0x1] =	wrdreg $0xFFFFFFFF  }
0xa8: {  	s28 =	simm.s32 $_size_execute0_lowered;
	s4 =	sadd.s32 s4, s6;
	[dreg:$0x0] =	wrdreg $0x0  }
0xa9: {  	s6 =	sshll.u32 s28, $0x1;
	[dreg:$0x2] =	wrdreg s4  }
0xaa: {  	[dreg:$0x3] =	wrdreg s6  }
0xab: {  	[dreg:$0x4] =	wrdreg $0xC0  }
0xac: {  	_ =	task [dreg:s8], $0x5FFFF  }
0xad: {  	[dreg:$0x1] =	wrdreg $0xFFFFFFFF  }
0xae: {  	[dreg:$0x0] =	wrdreg $0x60  }
0xaf: {  	[dreg:$0x2] =	wrdreg s2  }
0xb0: {  	[dreg:$0x3] =	wrdreg s24  }
0xb1: {  	[dreg:$0x4] =	wrdreg s18  }
0xb2: {  	[dreg:$0x5] =	wrdreg $0x9  }
0xb3: {  	_ =	task.clear_ibuf [dreg:s8], $0x6FFFF;
	_ =	strace $0x90000046  }
0xb4: {  	s29 =	simm.s32 $0x9;
	_ =	strace $0x80000048  }
0xb5: {  	_ =	swait.ge [sflag:s29], $0x1  }
0xb6: {  	[sflag:s29] =	ssyncadd.s32 $0xFFFFFFFF  }
0xb7: {  	_ =	strace $0x90000048  }
0xb8: {  	_ =	sfence  }
0xb9: {  	s30 =	sld [smem:$0x0];
	_ =	sdelay $0x2  }
0xba: {  	s31 =	sshll.u32 s1, $0xD;
	s1 =	sshrl.u32 s1, $0x2  }
0xbb: {  	s3 =	sand.u32 $0x4000, s31;
	s1 =	sadd.s32 s1, s30  }
0xbc: {  	s0 =	sor.u32 s3, s0;
	s1 =	sshll.u32 s1, $0x11  }
0xbd: {  	s0 =	sor.u32 s1, s0  }
0xbe: {  	s0 =	sadd.s32 $0x8F2B, s0  }
0xbf: {  	[sflag:s0] =	ssyncadd.remote.s32 $0x1  }
0xc0: {  	_ =	sfence.sel $0xFFFF  }
0xc1: {  	[dreg:$0x0] =	wrdreg $0xFFFFFFFF;
	(pc) =	sbr.abs _section_cstart, $3  }
0xc2: {  	[dreg:$0x1] =	wrdreg $0xFFFFFFFF  }
0xc3: {  	_ =	task.clear_ibuf [dreg:s8], $0x2FFFF;
	_ =	strace $0x9FFFFFFF  }
0xc4: {  	(tm) =	ssettm $0x7FFFFFFF  }
0xc5: {  	_ =	shalt  }
tec
execute0_lowered:
.L_overlay_start_1:
0x0: {  	(tag) =	ssettag $0x1  }
0x1: {  	s1 =	rddreg [dreg:$0x0]  }
0x2: {  	s0 =	rddreg [dreg:$0x1]  }
0x3: {  	s3 =	rddreg [dreg:$0x2]  }
0x4: {  	s2 =	srdreg.scid;
	s5 =	stileid.u32  }
0x5: {  	s4 =	simm.s32 $0x0;
	s13 =	simm.s32 $0x8100;
	s14 =	simm.s32 $0x5  }
0x6: {  	s15 =	simm.s32 $0x80;
	s16 =	simm.s32 $0x100;
	s17 =	simm.s32 $0x2100  }
0x7: {  	s18 =	simm.s32 $0x1;
	s19 =	simm.s32 $0x40;
	s20 =	simm.s32 $0x3200  }
0x8: {  	s21 =	simm.s32 $0x4100;
	s22 =	simm.s32 $0x2;
	s23 =	simm.s32 $0x6100  }
0x9: {  	s24 =	simm.s32 $0x3;
	s25 =	simm.s32 $0x4;
	s26 =	simm.s32 $0x0  }
0xa: {  	s2 =	sand.u32 $0x1, s2;
	s5 =	sshll.u32 s5, $0x8;
	[smem:$0x7FF] =	sst s4  }
0xb: {  	s7 =	sadd.s32 $0xF42E00, s0;
	s6 =	sshll.u32 s2, $0x7;
	s2 =	ssub.s32 $0x2, s2  }
0xc: {  	_ =	strace $0x80000047;
	s11 =	sor.u32 s6, s5;
	s8 =	sshrl.u32 s2, $0x1  }
0xd: {  	s5 =	sadd.s32 $0xA00, s0;
	s6 =	sshrl.u32 s11, $0x3;
	s31 =	ssub.s32 s2, s8  }
0xe: {  	s9 =	sor.u32 $0x2000, s11;
	s10 =	sor.u32 $0x3000, s11;
	s6 =	sadd.s32 s1, s6  }
0xf: {  	s11 =	smul.u32 $0x3200, s11;
	s12 =	smax.u32 s31, $0x1;
	s8 =	sadd.s32 $0x200, s6  }
.LBB2_1:
0x10: {  	[tilespmem:s13], [sflag:$0x5] =	stream.linear.gather [hbm4b:s5+s4], $0x3200, $0x38;
	[tilespmem:$0xB300] =	vst v63  }
0x11: {  	_ =	swait.ge [sflag:s14], $0x3200  }
0x12: {  	[sflag:s14] =	ssyncset.done $0x0  }
0x13: {  	[sflag:s14] =	ssyncadd.s32 $0xFFFFCE00  }
0x14: {  	[tilespmem:s4], [sflag:$0x5] =	stream.linear.gather [hbm4b:s6+s4], $0x80, $0x38;
	[tilespmem:$0xB300] =	vst v63  }
0x15: {  	_ =	swait.ge [sflag:s14], $0x80  }
0x16: {  	[sflag:s14] =	ssyncset.done $0x0  }
0x17: {  	[sflag:s14] =	ssyncadd.s32 $0xFFFFFF80  }
0x18: {  	[tilespmem:s16], [sflag:$0x1] =	stream.indirect.gather [hbm4b:s7+s15], $0x40, s4, s15, $0xb8;
	[tilespmem:$0xB300] =	vst v63  }
0x19: {  	_ = 	snop  }
0x1a: {  	[tilespmem:s15], [sflag:$0x5] =	stream.linear.gather [hbm4b:s8+s4], $0x80, $0x38;
	[tilespmem:$0xB300] =	vst v63  }
0x1b: {  	_ =	swait.ge [sflag:s14], $0x80  }
0x1c: {  	[sflag:s14] =	ssyncset.done $0x0  }
0x1d: {  	s28 =	simm.s32 $0x0;
	[sflag:s14] =	ssyncadd.s32 $0xFFFFFF80  }
0x1e: {  	[tilespmem:s17], [sflag:$0x2] =	stream.indirect.gather [hbm4b:s7+s15], $0x40, s15, s15, $0xb8;
	[tilespmem:$0xB300] =	vst v63  }
.LBB2_2:
0x1f: {  	_ =	swait.ge [sflag:s18], $0x2000  }
0x20: {  	p1 =	seq.s32 s28, $0x0;
	[sflag:s18] =	ssyncset.done $0x0  }
0x21: {  	s0 =	simm.s32 @!p1 $0x3;
	[sflag:s18] =	ssyncadd.s32 $0xFFFFE000  }
0x22: {  	_ =	swait.ge @!p1 [sflag:s0], $0x2000  }
0x23: {  	[sflag:s0] =	ssyncset.done @!p1 $0x0  }
0x24: {  	s30 =	sshll.u32 s28, $0x7;
	[sflag:s0] =	ssyncadd.s32 @!p1 $0xFFFFE000  }
0x25: {  	v2 =	vld [tilespmem:s30+$0x8100]  }
0x26: {  	v1 =	vld [tilespmem:s30+$0x8110]  }
0x27: {  	s31 =	simm.s32 $0x0;
	v0 =	vld [tilespmem:s30+$0x8120]  }
0x28: {  	v4 =	vld [tilespmem:s31+$0x2F0]  }
0x29: {  	v3 =	vld [tilespmem:s30+$0x8130]  }
0x2a: {  	v5 =	vld [tilespmem:s31+$0x100]  }
0x2b: {  	v6 =	vld [tilespmem:s31+$0x110]  }
0x2c: {  	v7 =	vld [tilespmem:s31+$0x120]  }
0x2d: {  	v8 =	vld [tilespmem:s31+$0x130];
	v4 =	vmul.f32 $8.000000000e+00, v4  }
0x2e: {  	v9 =	vld [tilespmem:s31+$0x140]  }
0x2f: {  	v10 =	vld [tilespmem:s31+$0x150];
	v5 =	vmul.f32 $8.000000000e+00, v5;
	v4 =	vadd.f32 v4, v3  }
0x30: {  	v11 =	vld [tilespmem:s31+$0x160];
	v6 =	vmul.f32 $8.000000000e+00, v6  }
0x31: {  	v12 =	vld [tilespmem:s31+$0x170];
	v5 =	vadd.f32 v5, v2;
	[tilespmem:s31+$0x42F0] =	vst v4;
	v4 =	vmul.f32 $8.000000000e+00, v7  }
0x32: {  	v13 =	vld [tilespmem:s31+$0x180];
	v6 =	vadd.f32 v6, v1;
	v7 =	vmul.f32 $8.000000000e+00, v8  }
0x33: {  	[tilespmem:s31+$0x4100] =	vst v5;
	v5 =	vld [tilespmem:s31+$0x190];
	v8 =	vmul.f32 $8.000000000e+00, v9;
	v4 =	vadd.f32 v4, v0  }
0x34: {  	[tilespmem:s31+$0x4110] =	vst v6;
	v6 =	vld [tilespmem:s31+$0x1A0];
	v9 =	vmul.f32 $8.000000000e+00, v10;
	v7 =	vadd.f32 v7, v3  }
0x35: {  	v10 =	vmul.f32 $8.000000000e+00, v11;
	v8 =	vadd.f32 v8, v2;
	[tilespmem:s31+$0x4120] =	vst v4;
	v4 =	vld [tilespmem:s31+$0x1B0]  }
0x36: {  	v11 =	vmul.f32 $8.000000000e+00, v12;
	v9 =	vadd.f32 v9, v1;
	[tilespmem:s31+$0x4130] =	vst v7  }
0x37: {  	v12 =	vmul.f32 $8.000000000e+00, v13;
	v10 =	vadd.f32 v10, v0;
	v7 =	vld [tilespmem:s31+$0x1C0];
	[tilespmem:s31+$0x4140] =	vst v8  }
0x38: {  	v11 =	vadd.f32 v11, v3;
	v8 =	vld [tilespmem:s31+$0x1D0];
	[tilespmem:s31+$0x4150] =	vst v9;
	v5 =	vmul.f32 $8.000000000e+00, v5  }
0x39: {  	v12 =	vadd.f32 v12, v2;
	v9 =	vld [tilespmem:s31+$0x1E0];
	[tilespmem:s31+$0x4160] =	vst v10;
	v6 =	vmul.f32 $8.000000000e+00, v6  }
0x3a: {  	v10 =	vld [tilespmem:s31+$0x1F0];
	[tilespmem:s31+$0x4170] =	vst v11;
	v5 =	vadd.f32 v5, v1;
	v4 =	vmul.f32 $8.000000000e+00, v4  }
0x3b: {  	v11 =	vld [tilespmem:s31+$0x200];
	[tilespmem:s31+$0x4180] =	vst v12;
	v6 =	vadd.f32 v6, v0  }
0x3c: {  	[tilespmem:s31+$0x4190] =	vst v5;
	v5 =	vld [tilespmem:s31+$0x220];
	v7 =	vmul.f32 $8.000000000e+00, v7;
	v4 =	vadd.f32 v4, v3  }
0x3d: {  	v12 =	vld [tilespmem:s31+$0x210];
	[tilespmem:s31+$0x41A0] =	vst v6;
	v8 =	vmul.f32 $8.000000000e+00, v8  }
0x3e: {  	v6 =	vld [tilespmem:s31+$0x230];
	v7 =	vadd.f32 v7, v2;
	[tilespmem:s31+$0x41B0] =	vst v4;
	v4 =	vmul.f32 $8.000000000e+00, v9  }
0x3f: {  	v13 =	vld [tilespmem:s31+$0x240];
	v8 =	vadd.f32 v8, v1;
	v9 =	vmul.f32 $8.000000000e+00, v10  }
0x40: {  	[tilespmem:s31+$0x41C0] =	vst v7;
	v7 =	vld [tilespmem:s31+$0x250];
	v10 =	vmul.f32 $8.000000000e+00, v11;
	v4 =	vadd.f32 v4, v0  }
0x41: {  	[tilespmem:s31+$0x41D0] =	vst v8;
	v5 =	vmul.f32 $8.000000000e+00, v5;
	v9 =	vadd.f32 v9, v3  }
0x42: {  	v8 =	vld [tilespmem:s31+$0x260];
	v10 =	vadd.f32 v10, v2;
	[tilespmem:s31+$0x41E0] =	vst v4;
	v4 =	vmul.f32 $8.000000000e+00, v12  }
0x43: {  	v11 =	vld [tilespmem:s31+$0x270];
	v6 =	vmul.f32 $8.000000000e+00, v6;
	v5 =	vadd.f32 v5, v0;
	[tilespmem:s31+$0x41F0] =	vst v9  }
0x44: {  	v12 =	vld [tilespmem:s31+$0x280];
	[tilespmem:s31+$0x4200] =	vst v10;
	v9 =	vmul.f32 $8.000000000e+00, v13;
	v4 =	vadd.f32 v4, v1  }
0x45: {  	v14 =	vld [tilespmem:s31+$0x290];
	v6 =	vadd.f32 v6, v3;
	[tilespmem:s31+$0x4220] =	vst v5;
	v7 =	vmul.f32 $8.000000000e+00, v7  }
0x46: {  	v9 =	vadd.f32 v9, v2;
	[tilespmem:s31+$0x4210] =	vst v4;
	v4 =	vld [tilespmem:s31+$0x2A0]  }
0x47: {  	v5 =	vld [tilespmem:s31+$0x2B0];
	[tilespmem:s31+$0x4230] =	vst v6;
	v8 =	vmul.f32 $8.000000000e+00, v8;
	v10 =	vadd.f32 v7, v1  }
0x48: {  	v6 =	vld [tilespmem:s31+$0x2C0];
	v11 =	vmul.f32 $8.000000000e+00, v11;
	[tilespmem:s31+$0x4240] =	vst v9  }
0x49: {  	v7 =	vld [tilespmem:s31+$0x2D0];
	v9 =	vadd.f32 v8, v0;
	[tilespmem:s31+$0x4250] =	vst v10;
	v10 =	vmul.f32 $8.000000000e+00, v12  }
0x4a: {  	s29 =	sshll.u32 s28, $0xD;
	s2 =	simm.s32 $0x1000;
	s0 =	simm.s32 $0x200;
	v8 =	vld [tilespmem:s31+$0x2E0];
	v12 =	vadd.f32 v11, v3;
	v11 =	vmul.f32 $8.000000000e+00, v14  }
.LBB2_3:
0x4b: {  	p0 =	sne.s32 s2, $0x7800;
	v13 =	vld [tilespmem:s0+$0x2F0];
	[tilespmem:s31+$0x4260] =	vst v9;
	v9 =	vadd.f32 v10, v2;
	v4 =	vmul.f32 $8.000000000e+00, v4  }
0x4c: {  	v10 =	vld [tilespmem:s0+$0x100];
	[tilespmem:s31+$0x4270] =	vst v12;
	v11 =	vadd.f32 v11, v1;
	v5 =	vmul.f32 $8.000000000e+00, v5  }
0x4d: {  	v12 =	vld [tilespmem:s0+$0x110];
	[tilespmem:s31+$0x4280] =	vst v9;
	v4 =	vadd.f32 v4, v0;
	v6 =	vmul.f32 $8.000000000e+00, v6  }
0x4e: {  	v9 =	vld [tilespmem:s0+$0x120];
	[tilespmem:s31+$0x4290] =	vst v11;
	v5 =	vadd.f32 v5, v3;
	v7 =	vmul.f32 $8.000000000e+00, v7  }
0x4f: {  	v11 =	vld [tilespmem:s0+$0x130];
	[tilespmem:s31+$0x42A0] =	vst v4;
	v4 =	vadd.f32 v6, v2;
	v6 =	vmul.f32 $8.000000000e+00, v8  }
0x50: {  	v8 =	vld [tilespmem:s0+$0x140];
	v13 =	vmul.f32 $8.000000000e+00, v13;
	[tilespmem:s31+$0x42B0] =	vst v5;
	v5 =	vadd.f32 v7, v1  }
0x51: {  	v7 =	vmul.f32 $8.000000000e+00, v10;
	v10 =	vld [tilespmem:s0+$0x150];
	[tilespmem:s31+$0x42C0] =	vst v4;
	v4 =	vadd.f32 v6, v0  }
0x52: {  	v6 =	vmul.f32 $8.000000000e+00, v12;
	v12 =	vld [tilespmem:s0+$0x160];
	v13 =	vadd.f32 v13, v3;
	[tilespmem:s31+$0x42D0] =	vst v5  }
0x53: {  	v5 =	vadd.f32 v7, v2;
	v7 =	vmul.f32 $8.000000000e+00, v9;
	v9 =	vld [tilespmem:s0+$0x170];
	[tilespmem:s31+$0x42E0] =	vst v4;
	s31 =	smov.u32 s0  }
0x54: {  	v4 =	vadd.f32 v6, v1;
	v6 =	vmul.f32 $8.000000000e+00, v11;
	v11 =	vld [tilespmem:s31+$0x180];
	[tilespmem:s31+$0x42F0] =	vst v13  }
0x55: {  	[tilespmem:s31+$0x4100] =	vst v5;
	v5 =	vadd.f32 v7, v0;
	v7 =	vmul.f32 $8.000000000e+00, v8;
	v8 =	vld [tilespmem:s31+$0x190]  }
0x56: {  	[tilespmem:s31+$0x4110] =	vst v4;
	v4 =	vadd.f32 v6, v3;
	v6 =	vmul.f32 $8.000000000e+00, v10;
	v10 =	vld [tilespmem:s31+$0x1A0]  }
0x57: {  	[tilespmem:s31+$0x4120] =	vst v5;
	v5 =	vadd.f32 v7, v2;
	v7 =	vmul.f32 $8.000000000e+00, v12;
	v12 =	vld [tilespmem:s31+$0x1B0]  }
0x58: {  	[tilespmem:s31+$0x4130] =	vst v4;
	v4 =	vadd.f32 v6, v1;
	v6 =	vmul.f32 $8.000000000e+00, v9;
	v9 =	vld [tilespmem:s31+$0x1C0]  }
0x59: {  	[tilespmem:s31+$0x4140] =	vst v5;
	v5 =	vadd.f32 v7, v0;
	v7 =	vmul.f32 $8.000000000e+00, v11;
	v11 =	vld [tilespmem:s31+$0x1D0]  }
0x5a: {  	[tilespmem:s31+$0x4150] =	vst v4;
	v4 =	vadd.f32 v6, v3;
	v6 =	vmul.f32 $8.000000000e+00, v8;
	v8 =	vld [tilespmem:s31+$0x1E0]  }
0x5b: {  	[tilespmem:s31+$0x4160] =	vst v5;
	v5 =	vadd.f32 v7, v2;
	v7 =	vmul.f32 $8.000000000e+00, v10;
	v10 =	vld [tilespmem:s31+$0x1F0]  }
0x5c: {  	[tilespmem:s31+$0x4170] =	vst v4;
	v4 =	vadd.f32 v6, v1;
	v6 =	vmul.f32 $8.000000000e+00, v12;
	v12 =	vld [tilespmem:s31+$0x200]  }
0x5d: {  	[tilespmem:s31+$0x4180] =	vst v5;
	v5 =	vadd.f32 v7, v0;
	v7 =	vmul.f32 $8.000000000e+00, v9;
	v9 =	vld [tilespmem:s31+$0x210]  }
0x5e: {  	[tilespmem:s31+$0x4190] =	vst v4;
	v4 =	vadd.f32 v6, v3;
	v6 =	vmul.f32 $8.000000000e+00, v11;
	v11 =	vld [tilespmem:s31+$0x220]  }
0x5f: {  	[tilespmem:s31+$0x41A0] =	vst v5;
	v5 =	vadd.f32 v7, v2;
	v7 =	vmul.f32 $8.000000000e+00, v8;
	v8 =	vld [tilespmem:s31+$0x230]  }
0x60: {  	[tilespmem:s31+$0x41B0] =	vst v4;
	v4 =	vadd.f32 v6, v1;
	v6 =	vmul.f32 $8.000000000e+00, v10;
	v10 =	vld [tilespmem:s31+$0x240]  }
0x61: {  	[tilespmem:s31+$0x41C0] =	vst v5;
	v5 =	vadd.f32 v7, v0;
	v7 =	vmul.f32 $8.000000000e+00, v12;
	v12 =	vld [tilespmem:s31+$0x250]  }
0x62: {  	[tilespmem:s31+$0x41D0] =	vst v4;
	v4 =	vadd.f32 v6, v3;
	v6 =	vmul.f32 $8.000000000e+00, v9;
	v9 =	vld [tilespmem:s31+$0x260]  }
0x63: {  	[tilespmem:s31+$0x41E0] =	vst v5;
	v5 =	vadd.f32 v7, v2;
	v7 =	vmul.f32 $8.000000000e+00, v11;
	v11 =	vld [tilespmem:s31+$0x270]  }
0x64: {  	[tilespmem:s31+$0x41F0] =	vst v4;
	v4 =	vadd.f32 v6, v1;
	v6 =	vmul.f32 $8.000000000e+00, v8;
	v8 =	vld [tilespmem:s31+$0x280]  }
0x65: {  	[tilespmem:s31+$0x4200] =	vst v5;
	v5 =	vadd.f32 v7, v0;
	v7 =	vmul.f32 $8.000000000e+00, v10;
	v13 =	vld [tilespmem:s31+$0x290]  }
.Ltmp0:
0x66: {  	[tilespmem:s31+$0x4210] =	vst v4;
	v6 =	vadd.f32 v6, v3;
	v10 =	vmul.f32 $8.000000000e+00, v12;
	v4 =	vld [tilespmem:s31+$0x2A0];
	(pc) =	sbr.rel @p0 .LBB2_3-.Ltmp0, $4  }
0x67: {  	[tilespmem:s31+$0x4220] =	vst v5;
	v7 =	vadd.f32 v7, v2;
	v9 =	vmul.f32 $8.000000000e+00, v9;
	v5 =	vld [tilespmem:s31+$0x2B0]  }
0x68: {  	[tilespmem:s31+$0x4230] =	vst v6;
	v12 =	vadd.f32 v10, v1;
	v11 =	vmul.f32 $8.000000000e+00, v11;
	v6 =	vld [tilespmem:s31+$0x2C0]  }
0x69: {  	[tilespmem:s31+$0x4240] =	vst v7;
	v9 =	vadd.f32 v9, v0;
	v10 =	vmul.f32 $8.000000000e+00, v8;
	v7 =	vld [tilespmem:s31+$0x2D0]  }
0x6a: {  	s0 =	sshra.s32 s2, $0x2;
	s2 =	sadd.s32 $0x800, s2;
	[tilespmem:s31+$0x4250] =	vst v12;
	v12 =	vadd.f32 v11, v3;
	v11 =	vmul.f32 $8.000000000e+00, v13;
	v8 =	vld [tilespmem:s31+$0x2E0]  }
0x6b: {  	v13 =	vld [tilespmem:s0+$0x2F0];
	[tilespmem:s31+$0x4260] =	vst v9;
	v10 =	vadd.f32 v10, v2;
	v4 =	vmul.f32 $8.000000000e+00, v4  }
0x6c: {  	v9 =	vld [tilespmem:s0+$0x100];
	[tilespmem:s31+$0x4270] =	vst v12;
	v11 =	vadd.f32 v11, v1;
	v5 =	vmul.f32 $8.000000000e+00, v5  }
0x6d: {  	v12 =	vld [tilespmem:s0+$0x110];
	[tilespmem:s31+$0x4280] =	vst v10;
	v4 =	vadd.f32 v4, v0;
	v6 =	vmul.f32 $8.000000000e+00, v6  }
0x6e: {  	v10 =	vld [tilespmem:s0+$0x120];
	[tilespmem:s31+$0x4290] =	vst v11;
	v5 =	vadd.f32 v5, v3;
	v7 =	vmul.f32 $8.000000000e+00, v7  }
0x6f: {  	v11 =	vld [tilespmem:s0+$0x130];
	[tilespmem:s31+$0x42A0] =	vst v4;
	v6 =	vadd.f32 v6, v2;
	v8 =	vmul.f32 $8.000000000e+00, v8  }
0x70: {  	v4 =	vld [tilespmem:s0+$0x140];
	[tilespmem:s31+$0x42B0] =	vst v5;
	v7 =	vadd.f32 v7, v1  }
0x71: {  	v13 =	vmul.f32 $8.000000000e+00, v13;
	v5 =	vld [tilespmem:s0+$0x150];
	[tilespmem:s31+$0x42C0] =	vst v6;
	v8 =	vadd.f32 v8, v0  }
0x72: {  	v6 =	vld [tilespmem:s0+$0x160];
	[tilespmem:s31+$0x42D0] =	vst v7;
	v7 =	vmul.f32 $8.000000000e+00, v9  }
0x73: {  	v13 =	vadd.f32 v13, v3;
	v9 =	vld [tilespmem:s0+$0x170];
	[tilespmem:s31+$0x42E0] =	vst v8;
	v8 =	vmul.f32 $8.000000000e+00, v12  }
0x74: {  	v10 =	vmul.f32 $8.000000000e+00, v10;
	v7 =	vadd.f32 v7, v2  }
0x75: {  	v12 =	vld [tilespmem:s0+$0x180];
	[tilespmem:s0+$0x42F0] =	vst v13;
	v11 =	vmul.f32 $8.000000000e+00, v11;
	v8 =	vadd.f32 v8, v1  }
0x76: {  	v10 =	vadd.f32 v10, v0;
	v4 =	vmul.f32 $8.000000000e+00, v4;
	[tilespmem:s0+$0x4100] =	vst v7;
	v7 =	vld [tilespmem:s0+$0x190]  }
0x77: {  	v11 =	vadd.f32 v11, v3;
	v5 =	vmul.f32 $8.000000000e+00, v5;
	[tilespmem:s0+$0x4110] =	vst v8;
	v8 =	vld [tilespmem:s0+$0x1A0]  }
0x78: {  	[tilespmem:s0+$0x4120] =	vst v10;
	v10 =	vld [tilespmem:s0+$0x1B0];
	v4 =	vadd.f32 v4, v2;
	v6 =	vmul.f32 $8.000000000e+00, v6  }
0x79: {  	[tilespmem:s0+$0x4130] =	vst v11;
	v11 =	vld [tilespmem:s0+$0x1C0];
	v5 =	vadd.f32 v5, v1;
	v9 =	vmul.f32 $8.000000000e+00, v9  }
0x7a: {  	[tilespmem:s0+$0x4140] =	vst v4;
	v4 =	vld [tilespmem:s0+$0x1D0];
	v6 =	vadd.f32 v6, v0;
	v12 =	vmul.f32 $8.000000000e+00, v12  }
0x7b: {  	[tilespmem:s0+$0x4150] =	vst v5;
	v5 =	vld [tilespmem:s0+$0x1E0];
	v9 =	vadd.f32 v9, v3;
	v7 =	vmul.f32 $8.000000000e+00, v7  }
0x7c: {  	[tilespmem:s0+$0x4160] =	vst v6;
	v6 =	vld [tilespmem:s0+$0x1F0];
	v12 =	vadd.f32 v12, v2;
	v8 =	vmul.f32 $8.000000000e+00, v8  }
0x7d: {  	[tilespmem:s0+$0x4170] =	vst v9;
	v9 =	vld [tilespmem:s0+$0x200];
	v10 =	vmul.f32 $8.000000000e+00, v10;
	v7 =	vadd.f32 v7, v1  }
0x7e: {  	[tilespmem:s0+$0x4180] =	vst v12;
	v12 =	vld [tilespmem:s0+$0x210];
	v11 =	vmul.f32 $8.000000000e+00, v11;
	v8 =	vadd.f32 v8, v0  }
0x7f: {  	v10 =	vadd.f32 v10, v3;
	v4 =	vmul.f32 $8.000000000e+00, v4;
	[tilespmem:s0+$0x4190] =	vst v7;
	v7 =	vld [tilespmem:s0+$0x220]  }
0x80: {  	v11 =	vadd.f32 v11, v2;
	v5 =	vmul.f32 $8.000000000e+00, v5;
	[tilespmem:s0+$0x41A0] =	vst v8;
	v8 =	vld [tilespmem:s0+$0x230]  }
0x81: {  	[tilespmem:s0+$0x41B0] =	vst v10;
	v10 =	vld [tilespmem:s0+$0x240];
	v4 =	vadd.f32 v4, v1;
	v6 =	vmul.f32 $8.000000000e+00, v6  }
0x82: {  	[tilespmem:s0+$0x41C0] =	vst v11;
	v11 =	vld [tilespmem:s0+$0x250];
	v5 =	vadd.f32 v5, v0;
	v9 =	vmul.f32 $8.000000000e+00, v9  }
0x83: {  	[tilespmem:s0+$0x41D0] =	vst v4;
	v4 =	vld [tilespmem:s0+$0x260];
	v6 =	vadd.f32 v6, v3;
	v12 =	vmul.f32 $8.000000000e+00, v12  }
0x84: {  	[tilespmem:s0+$0x41E0] =	vst v5;
	v5 =	vld [tilespmem:s0+$0x270];
	v9 =	vadd.f32 v9, v2;
	v7 =	vmul.f32 $8.000000000e+00, v7  }
0x85: {  	[tilespmem:s0+$0x41F0] =	vst v6;
	v6 =	vld [tilespmem:s0+$0x280];
	v12 =	vadd.f32 v12, v1;
	v8 =	vmul.f32 $8.000000000e+00, v8  }
0x86: {  	[tilespmem:s0+$0x4200] =	vst v9;
	v9 =	vld [tilespmem:s0+$0x290];
	v10 =	vmul.f32 $8.000000000e+00, v10;
	v7 =	vadd.f32 v7, v0  }
0x87: {  	[tilespmem:s0+$0x4210] =	vst v12;
	v12 =	vld [tilespmem:s0+$0x2A0];
	v11 =	vmul.f32 $8.000000000e+00, v11;
	v8 =	vadd.f32 v8, v3  }
0x88: {  	v10 =	vadd.f32 v10, v2;
	v4 =	vmul.f32 $8.000000000e+00, v4;
	[tilespmem:s0+$0x4220] =	vst v7;
	v7 =	vld [tilespmem:s0+$0x2B0]  }
0x89: {  	v11 =	vadd.f32 v11, v1;
	v5 =	vmul.f32 $8.000000000e+00, v5;
	[tilespmem:s0+$0x4230] =	vst v8;
	v8 =	vld [tilespmem:s0+$0x2C0]  }
0x8a: {  	[tilespmem:s0+$0x4240] =	vst v10;
	v10 =	vld [tilespmem:s0+$0x2D0];
	v4 =	vadd.f32 v4, v0;
	v6 =	vmul.f32 $8.000000000e+00, v6  }
0x8b: {  	[tilespmem:s0+$0x4250] =	vst v11;
	v5 =	vadd.f32 v5, v3;
	v9 =	vmul.f32 $8.000000000e+00, v9;
	v11 =	vld [tilespmem:s0+$0x2E0]  }
0x8c: {  	[tilespmem:s0+$0x4260] =	vst v4;
	v4 =	vadd.f32 v6, v2;
	v6 =	vmul.f32 $8.000000000e+00, v12  }
0x8d: {  	[tilespmem:s0+$0x4270] =	vst v5;
	v5 =	vadd.f32 v9, v1;
	v7 =	vmul.f32 $8.000000000e+00, v7  }
0x8e: {  	[tilespmem:s0+$0x4280] =	vst v4;
	v4 =	vadd.f32 v6, v0;
	v6 =	vmul.f32 $8.000000000e+00, v8  }
0x8f: {  	[tilespmem:s0+$0x4290] =	vst v5;
	v5 =	vmul.f32 $8.000000000e+00, v10;
	v3 =	vadd.f32 v7, v3  }
0x90: {  	[tilespmem:s0+$0x42A0] =	vst v4;
	v4 =	vmul.f32 $8.000000000e+00, v11;
	v2 =	vadd.f32 v6, v2  }
0x91: {  	p0 =	seq.s32 s28, $0x63;
	v1 =	vadd.f32 v5, v1;
	[tilespmem:s0+$0x42B0] =	vst v3  }
0x92: {  	s2 =	sadd.s32 @!p0 s9, s29;
	v0 =	vadd.f32 v4, v0;
	[tilespmem:s0+$0x42C0] =	vst v2  }
0x93: {  	s2 =	sshrl.u32 @!p0 s2, $0x3;
	[tilespmem:s0+$0x42D0] =	vst v1  }
0x94: {  	[tilespmem:s0+$0x42E0] =	vst v0;
	s0 =	sadd.s32 @!p0 s1, s2;
	s2 =	simm.s32 @!p0 $0x0  }
0x95: {  	[tilespmem:s2], [sflag:$0x5] =	stream.linear.gather @!p0 [hbm4b:s0+s2], $0x80, $0x38;
	[tilespmem:$0xB300] =	vst v63  }
0x96: {  	s0 =	simm.s32 @!p0 $0x5  }
0x97: {  	_ =	swait.ge @!p0 [sflag:s0], $0x80  }
0x98: {  	[sflag:s0] =	ssyncset.done @!p0 $0x0  }
0x99: {  	s31 =	simm.s32 @!p0 $0x100;
	[sflag:s0] =	ssyncadd.s32 @!p0 $0xFFFFFF80;
	s0 =	simm.s32 @!p0 $0x80  }
0x9a: {  	[tilespmem:s31], [sflag:$0x1] =	stream.indirect.gather @!p0 [hbm4b:s7+s0], $0x40, s2, s0, $0xb8;
	[tilespmem:$0xB300] =	vst v63  }
0x9b: {  	s2 =	sor.u32 s11, s30  }
0x9c: {  	s0 =	sshrl.u32 s2, $0x3  }
0x9d: {  	s0 =	sadd.s32 s3, s0  }
0x9e: {  	[hbm4b:s0+s19] =	stream.strided.scatter [tilespmem:s21], [sflag:$0x3], $0x2000, s20, s19, $0x38;
	[tilespmem:$0xB300] =	vst v63  }
0x9f: {  	_ =	swait.ge [sflag:s22], $0x2000  }
0xa0: {  	[sflag:s22] =	ssyncset.done $0x0  }
0xa1: {  	s0 =	simm.s32 @!p1 $0x4;
	[sflag:s22] =	ssyncadd.s32 $0xFFFFE000  }
0xa2: {  	_ =	swait.ge @!p1 [sflag:s0], $0x2000  }
0xa3: {  	[sflag:s0] =	ssyncset.done @!p1 $0x0  }
0xa4: {  	[sflag:s0] =	ssyncadd.s32 @!p1 $0xFFFFE000  }
0xa5: {  	v2 =	vld [tilespmem:s30+$0x8140]  }
0xa6: {  	v1 =	vld [tilespmem:s30+$0x8150]  }
0xa7: {  	s31 =	simm.s32 $0x0;
	v0 =	vld [tilespmem:s30+$0x8160]  }
0xa8: {  	v4 =	vld [tilespmem:s31+$0x22F0]  }
0xa9: {  	v3 =	vld [tilespmem:s30+$0x8170]  }
0xaa: {  	v5 =	vld [tilespmem:s31+$0x2100]  }
0xab: {  	v6 =	vld [tilespmem:s31+$0x2110]  }
0xac: {  	v7 =	vld [tilespmem:s31+$0x2120]  }
0xad: {  	v8 =	vld [tilespmem:s31+$0x2130];
	v4 =	vmul.f32 $8.000000000e+00, v4  }
0xae: {  	v9 =	vld [tilespmem:s31+$0x2140]  }
0xaf: {  	v10 =	vld [tilespmem:s31+$0x2150];
	v5 =	vmul.f32 $8.000000000e+00, v5;
	v4 =	vadd.f32 v4, v3  }
0xb0: {  	v11 =	vld [tilespmem:s31+$0x2160];
	v6 =	vmul.f32 $8.000000000e+00, v6  }
0xb1: {  	v12 =	vld [tilespmem:s31+$0x2170];
	v5 =	vadd.f32 v5, v2;
	[tilespmem:s31+$0x62F0] =	vst v4;
	v4 =	vmul.f32 $8.000000000e+00, v7  }
0xb2: {  	v13 =	vld [tilespmem:s31+$0x2180];
	v6 =	vadd.f32 v6, v1;
	v7 =	vmul.f32 $8.000000000e+00, v8  }
0xb3: {  	[tilespmem:s31+$0x6100] =	vst v5;
	v5 =	vld [tilespmem:s31+$0x2190];
	v8 =	vmul.f32 $8.000000000e+00, v9;
	v4 =	vadd.f32 v4, v0  }
0xb4: {  	[tilespmem:s31+$0x6110] =	vst v6;
	v6 =	vld [tilespmem:s31+$0x21A0];
	v9 =	vmul.f32 $8.000000000e+00, v10;
	v7 =	vadd.f32 v7, v3  }
0xb5: {  	v10 =	vmul.f32 $8.000000000e+00, v11;
	v8 =	vadd.f32 v8, v2;
	[tilespmem:s31+$0x6120] =	vst v4;
	v4 =	vld [tilespmem:s31+$0x21B0]  }
0xb6: {  	v11 =	vmul.f32 $8.000000000e+00, v12;
	v9 =	vadd.f32 v9, v1;
	[tilespmem:s31+$0x6130] =	vst v7  }
0xb7: {  	v12 =	vmul.f32 $8.000000000e+00, v13;
	v10 =	vadd.f32 v10, v0;
	v7 =	vld [tilespmem:s31+$0x21C0];
	[tilespmem:s31+$0x6140] =	vst v8  }
0xb8: {  	v11 =	vadd.f32 v11, v3;
	v8 =	vld [tilespmem:s31+$0x21D0];
	[tilespmem:s31+$0x6150] =	vst v9;
	v5 =	vmul.f32 $8.000000000e+00, v5  }
0xb9: {  	v12 =	vadd.f32 v12, v2;
	v9 =	vld [tilespmem:s31+$0x21E0];
	[tilespmem:s31+$0x6160] =	vst v10;
	v6 =	vmul.f32 $8.000000000e+00, v6  }
0xba: {  	v10 =	vld [tilespmem:s31+$0x21F0];
	[tilespmem:s31+$0x6170] =	vst v11;
	v5 =	vadd.f32 v5, v1;
	v4 =	vmul.f32 $8.000000000e+00, v4  }
0xbb: {  	v11 =	vld [tilespmem:s31+$0x2200];
	[tilespmem:s31+$0x6180] =	vst v12;
	v6 =	vadd.f32 v6, v0  }
0xbc: {  	[tilespmem:s31+$0x6190] =	vst v5;
	v5 =	vld [tilespmem:s31+$0x2220];
	v7 =	vmul.f32 $8.000000000e+00, v7;
	v4 =	vadd.f32 v4, v3  }
0xbd: {  	v12 =	vld [tilespmem:s31+$0x2210];
	[tilespmem:s31+$0x61A0] =	vst v6;
	v8 =	vmul.f32 $8.000000000e+00, v8  }
0xbe: {  	v6 =	vld [tilespmem:s31+$0x2230];
	v7 =	vadd.f32 v7, v2;
	[tilespmem:s31+$0x61B0] =	vst v4;
	v4 =	vmul.f32 $8.000000000e+00, v9  }
0xbf: {  	v13 =	vld [tilespmem:s31+$0x2240];
	v8 =	vadd.f32 v8, v1;
	v9 =	vmul.f32 $8.000000000e+00, v10  }
0xc0: {  	[tilespmem:s31+$0x61C0] =	vst v7;
	v7 =	vld [tilespmem:s31+$0x2250];
	v10 =	vmul.f32 $8.000000000e+00, v11;
	v4 =	vadd.f32 v4, v0  }
0xc1: {  	[tilespmem:s31+$0x61D0] =	vst v8;
	v5 =	vmul.f32 $8.000000000e+00, v5;
	v9 =	vadd.f32 v9, v3  }
0xc2: {  	v8 =	vld [tilespmem:s31+$0x2260];
	v10 =	vadd.f32 v10, v2;
	[tilespmem:s31+$0x61E0] =	vst v4;
	v4 =	vmul.f32 $8.000000000e+00, v12  }
0xc3: {  	v11 =	vld [tilespmem:s31+$0x2270];
	v6 =	vmul.f32 $8.000000000e+00, v6;
	v5 =	vadd.f32 v5, v0;
	[tilespmem:s31+$0x61F0] =	vst v9  }
0xc4: {  	v12 =	vld [tilespmem:s31+$0x2280];
	[tilespmem:s31+$0x6200] =	vst v10;
	v9 =	vmul.f32 $8.000000000e+00, v13;
	v4 =	vadd.f32 v4, v1  }
0xc5: {  	v14 =	vld [tilespmem:s31+$0x2290];
	v6 =	vadd.f32 v6, v3;
	[tilespmem:s31+$0x6220] =	vst v5;
	v7 =	vmul.f32 $8.000000000e+00, v7  }
0xc6: {  	v9 =	vadd.f32 v9, v2;
	[tilespmem:s31+$0x6210] =	vst v4;
	v4 =	vld [tilespmem:s31+$0x22A0]  }
0xc7: {  	v5 =	vld [tilespmem:s31+$0x22B0];
	[tilespmem:s31+$0x6230] =	vst v6;
	v8 =	vmul.f32 $8.000000000e+00, v8;
	v10 =	vadd.f32 v7, v1  }
0xc8: {  	v6 =	vld [tilespmem:s31+$0x22C0];
	v11 =	vmul.f32 $8.000000000e+00, v11;
	[tilespmem:s31+$0x6240] =	vst v9  }
0xc9: {  	v7 =	vld [tilespmem:s31+$0x22D0];
	v9 =	vadd.f32 v8, v0;
	[tilespmem:s31+$0x6250] =	vst v10;
	v10 =	vmul.f32 $8.000000000e+00, v12  }
0xca: {  	s2 =	simm.s32 $0x1000;
	s0 =	simm.s32 $0x200;
	s30 =	sor.u32 $0x40, s30;
	v8 =	vld [tilespmem:s31+$0x22E0];
	v12 =	vadd.f32 v11, v3;
	v11 =	vmul.f32 $8.000000000e+00, v14  }
.LBB2_5:
0xcb: {  	p1 =	sne.s32 s2, $0x7800;
	v13 =	vld [tilespmem:s0+$0x22F0];
	[tilespmem:s31+$0x6260] =	vst v9;
	v9 =	vadd.f32 v10, v2;
	v4 =	vmul.f32 $8.000000000e+00, v4  }
0xcc: {  	v10 =	vld [tilespmem:s0+$0x2100];
	[tilespmem:s31+$0x6270] =	vst v12;
	v11 =	vadd.f32 v11, v1;
	v5 =	vmul.f32 $8.000000000e+00, v5  }
0xcd: {  	v12 =	vld [tilespmem:s0+$0x2110];
	[tilespmem:s31+$0x6280] =	vst v9;
	v4 =	vadd.f32 v4, v0;
	v6 =	vmul.f32 $8.000000000e+00, v6  }
0xce: {  	v9 =	vld [tilespmem:s0+$0x2120];
	[tilespmem:s31+$0x6290] =	vst v11;
	v5 =	vadd.f32 v5, v3;
	v7 =	vmul.f32 $8.000000000e+00, v7  }
0xcf: {  	v11 =	vld [tilespmem:s0+$0x2130];
	[tilespmem:s31+$0x62A0] =	vst v4;
	v4 =	vadd.f32 v6, v2;
	v6 =	vmul.f32 $8.000000000e+00, v8  }
0xd0: {  	v8 =	vld [tilespmem:s0+$0x2140];
	v13 =	vmul.f32 $8.000000000e+00, v13;
	[tilespmem:s31+$0x62B0] =	vst v5;
	v5 =	vadd.f32 v7, v1  }
0xd1: {  	v7 =	vmul.f32 $8.000000000e+00, v10;
	v10 =	vld [tilespmem:s0+$0x2150];
	[tilespmem:s31+$0x62C0] =	vst v4;
	v4 =	vadd.f32 v6, v0  }
0xd2: {  	v6 =	vmul.f32 $8.000000000e+00, v12;
	v12 =	vld [tilespmem:s0+$0x2160];
	v13 =	vadd.f32 v13, v3;
	[tilespmem:s31+$0x62D0] =	vst v5  }
0xd3: {  	v5 =	vadd.f32 v7, v2;
	v7 =	vmul.f32 $8.000000000e+00, v9;
	v9 =	vld [tilespmem:s0+$0x2170];
	[tilespmem:s31+$0x62E0] =	vst v4;
	s31 =	smov.u32 s0  }
0xd4: {  	v4 =	vadd.f32 v6, v1;
	v6 =	vmul.f32 $8.000000000e+00, v11;
	v11 =	vld [tilespmem:s31+$0x2180];
	[tilespmem:s31+$0x62F0] =	vst v13  }
0xd5: {  	[tilespmem:s31+$0x6100] =	vst v5;
	v5 =	vadd.f32 v7, v0;
	v7 =	vmul.f32 $8.000000000e+00, v8;
	v8 =	vld [tilespmem:s31+$0x2190]  }
0xd6: {  	[tilespmem:s31+$0x6110] =	vst v4;
	v4 =	vadd.f32 v6, v3;
	v6 =	vmul.f32 $8.000000000e+00, v10;
	v10 =	vld [tilespmem:s31+$0x21A0]  }
0xd7: {  	[tilespmem:s31+$0x6120] =	vst v5;
	v5 =	vadd.f32 v7, v2;
	v7 =	vmul.f32 $8.000000000e+00, v12;
	v12 =	vld [tilespmem:s31+$0x21B0]  }
0xd8: {  	[tilespmem:s31+$0x6130] =	vst v4;
	v4 =	vadd.f32 v6, v1;
	v6 =	vmul.f32 $8.000000000e+00, v9;
	v9 =	vld [tilespmem:s31+$0x21C0]  }
0xd9: {  	[tilespmem:s31+$0x6140] =	vst v5;
	v5 =	vadd.f32 v7, v0;
	v7 =	vmul.f32 $8.000000000e+00, v11;
	v11 =	vld [tilespmem:s31+$0x21D0]  }
0xda: {  	[tilespmem:s31+$0x6150] =	vst v4;
	v4 =	vadd.f32 v6, v3;
	v6 =	vmul.f32 $8.000000000e+00, v8;
	v8 =	vld [tilespmem:s31+$0x21E0]  }
0xdb: {  	[tilespmem:s31+$0x6160] =	vst v5;
	v5 =	vadd.f32 v7, v2;
	v7 =	vmul.f32 $8.000000000e+00, v10;
	v10 =	vld [tilespmem:s31+$0x21F0]  }
0xdc: {  	[tilespmem:s31+$0x6170] =	vst v4;
	v4 =	vadd.f32 v6, v1;
	v6 =	vmul.f32 $8.000000000e+00, v12;
	v12 =	vld [tilespmem:s31+$0x2200]  }
0xdd: {  	[tilespmem:s31+$0x6180] =	vst v5;
	v5 =	vadd.f32 v7, v0;
	v7 =	vmul.f32 $8.000000000e+00, v9;
	v9 =	vld [tilespmem:s31+$0x2210]  }
0xde: {  	[tilespmem:s31+$0x6190] =	vst v4;
	v4 =	vadd.f32 v6, v3;
	v6 =	vmul.f32 $8.000000000e+00, v11;
	v11 =	vld [tilespmem:s31+$0x2220]  }
0xdf: {  	[tilespmem:s31+$0x61A0] =	vst v5;
	v5 =	vadd.f32 v7, v2;
	v7 =	vmul.f32 $8.000000000e+00, v8;
	v8 =	vld [tilespmem:s31+$0x2230]  }
0xe0: {  	[tilespmem:s31+$0x61B0] =	vst v4;
	v4 =	vadd.f32 v6, v1;
	v6 =	vmul.f32 $8.000000000e+00, v10;
	v10 =	vld [tilespmem:s31+$0x2240]  }
0xe1: {  	[tilespmem:s31+$0x61C0] =	vst v5;
	v5 =	vadd.f32 v7, v0;
	v7 =	vmul.f32 $8.000000000e+00, v12;
	v12 =	vld [tilespmem:s31+$0x2250]  }
0xe2: {  	[tilespmem:s31+$0x61D0] =	vst v4;
	v4 =	vadd.f32 v6, v3;
	v6 =	vmul.f32 $8.000000000e+00, v9;
	v9 =	vld [tilespmem:s31+$0x2260]  }
0xe3: {  	[tilespmem:s31+$0x61E0] =	vst v5;
	v5 =	vadd.f32 v7, v2;
	v7 =	vmul.f32 $8.000000000e+00, v11;
	v11 =	vld [tilespmem:s31+$0x2270]  }
0xe4: {  	[tilespmem:s31+$0x61F0] =	vst v4;
	v4 =	vadd.f32 v6, v1;
	v6 =	vmul.f32 $8.000000000e+00, v8;
	v8 =	vld [tilespmem:s31+$0x2280]  }
0xe5: {  	[tilespmem:s31+$0x6200] =	vst v5;
	v5 =	vadd.f32 v7, v0;
	v7 =	vmul.f32 $8.000000000e+00, v10;
	v13 =	vld [tilespmem:s31+$0x2290]  }
.Ltmp1:
0xe6: {  	[tilespmem:s31+$0x6210] =	vst v4;
	v6 =	vadd.f32 v6, v3;
	v10 =	vmul.f32 $8.000000000e+00, v12;
	v4 =	vld [tilespmem:s31+$0x22A0];
	(pc) =	sbr.rel @p1 .LBB2_5-.Ltmp1, $4  }
0xe7: {  	[tilespmem:s31+$0x6220] =	vst v5;
	v7 =	vadd.f32 v7, v2;
	v9 =	vmul.f32 $8.000000000e+00, v9;
	v5 =	vld [tilespmem:s31+$0x22B0]  }
0xe8: {  	[tilespmem:s31+$0x6230] =	vst v6;
	v12 =	vadd.f32 v10, v1;
	v11 =	vmul.f32 $8.000000000e+00, v11;
	v6 =	vld [tilespmem:s31+$0x22C0]  }
0xe9: {  	[tilespmem:s31+$0x6240] =	vst v7;
	v9 =	vadd.f32 v9, v0;
	v10 =	vmul.f32 $8.000000000e+00, v8;
	v7 =	vld [tilespmem:s31+$0x22D0]  }
0xea: {  	s0 =	sshra.s32 s2, $0x2;
	s2 =	sadd.s32 $0x800, s2;
	[tilespmem:s31+$0x6250] =	vst v12;
	v12 =	vadd.f32 v11, v3;
	v11 =	vmul.f32 $8.000000000e+00, v13;
	v8 =	vld [tilespmem:s31+$0x22E0]  }
0xeb: {  	v13 =	vld [tilespmem:s0+$0x22F0];
	[tilespmem:s31+$0x6260] =	vst v9;
	v10 =	vadd.f32 v10, v2;
	v4 =	vmul.f32 $8.000000000e+00, v4  }
0xec: {  	v9 =	vld [tilespmem:s0+$0x2100];
	[tilespmem:s31+$0x6270] =	vst v12;
	v11 =	vadd.f32 v11, v1;
	v5 =	vmul.f32 $8.000000000e+00, v5  }
0xed: {  	v12 =	vld [tilespmem:s0+$0x2110];
	[tilespmem:s31+$0x6280] =	vst v10;
	v4 =	vadd.f32 v4, v0;
	v6 =	vmul.f32 $8.000000000e+00, v6  }
0xee: {  	v10 =	vld [tilespmem:s0+$0x2120];
	[tilespmem:s31+$0x6290] =	vst v11;
	v5 =	vadd.f32 v5, v3;
	v7 =	vmul.f32 $8.000000000e+00, v7  }
0xef: {  	v11 =	vld [tilespmem:s0+$0x2130];
	[tilespmem:s31+$0x62A0] =	vst v4;
	v6 =	vadd.f32 v6, v2;
	v8 =	vmul.f32 $8.000000000e+00, v8  }
0xf0: {  	v4 =	vld [tilespmem:s0+$0x2140];
	[tilespmem:s31+$0x62B0] =	vst v5;
	v7 =	vadd.f32 v7, v1;
	v13 =	vmul.f32 $8.000000000e+00, v13  }
0xf1: {  	v5 =	vld [tilespmem:s0+$0x2150];
	[tilespmem:s31+$0x62C0] =	vst v6;
	v8 =	vadd.f32 v8, v0;
	v27 =	vmul.f32 $8.000000000e+00, v9  }
0xf2: {  	v6 =	vld [tilespmem:s0+$0x2160];
	[tilespmem:s31+$0x62D0] =	vst v7;
	v13 =	vadd.f32 v13, v3;
	v29 =	vmul.f32 $8.000000000e+00, v12  }
0xf3: {  	v28 =	vld [tilespmem:s0+$0x2170];
	[tilespmem:s31+$0x62E0] =	vst v8;
	v7 =	vadd.f32 v27, v2;
	v10 =	vmul.f32 $8.000000000e+00, v10  }
0xf4: {  	v30 =	vld [tilespmem:s0+$0x2180];
	[tilespmem:s0+$0x62F0] =	vst v13;
	v8 =	vadd.f32 v29, v1;
	v11 =	vmul.f32 $8.000000000e+00, v11  }
0xf5: {  	v31 =	vld [tilespmem:s0+$0x2190];
	[tilespmem:s0+$0x6100] =	vst v7;
	v10 =	vadd.f32 v10, v0;
	v4 =	vmul.f32 $8.000000000e+00, v4  }
0xf6: {  	v32 =	vld [tilespmem:s0+$0x21A0];
	[tilespmem:s0+$0x6110] =	vst v8;
	v11 =	vadd.f32 v11, v3;
	v5 =	vmul.f32 $8.000000000e+00, v5  }
0xf7: {  	v33 =	vld [tilespmem:s0+$0x21B0];
	[tilespmem:s0+$0x6120] =	vst v10;
	v4 =	vadd.f32 v4, v2;
	v6 =	vmul.f32 $8.000000000e+00, v6  }
0xf8: {  	v34 =	vld [tilespmem:s0+$0x21C0];
	[tilespmem:s0+$0x6130] =	vst v11;
	v5 =	vadd.f32 v5, v1;
	v9 =	vmul.f32 $8.000000000e+00, v28  }
0xf9: {  	v35 =	vld [tilespmem:s0+$0x21D0];
	[tilespmem:s0+$0x6140] =	vst v4;
	v6 =	vadd.f32 v6, v0;
	v12 =	vmul.f32 $8.000000000e+00, v30  }
0xfa: {  	v48 =	vld [tilespmem:s0+$0x22A0];
	v7 =	vmul.f32 $8.000000000e+00, v31;
	[tilespmem:s0+$0x6150] =	vst v5;
	v9 =	vadd.f32 v9, v3  }
0xfb: {  	v50 =	vld [tilespmem:s0+$0x22C0];
	v8 =	vmul.f32 $8.000000000e+00, v32;
	[tilespmem:s0+$0x6160] =	vst v6;
	v12 =	vadd.f32 v12, v2  }
0xfc: {  	v51 =	vld [tilespmem:s0+$0x22D0];
	v10 =	vmul.f32 $8.000000000e+00, v33;
	v7 =	vadd.f32 v7, v1;
	[tilespmem:s0+$0x6170] =	vst v9  }
0xfd: {  	v52 =	vld [tilespmem:s0+$0x22E0];
	v11 =	vmul.f32 $8.000000000e+00, v34;
	v8 =	vadd.f32 v8, v0;
	[tilespmem:s0+$0x6180] =	vst v12  }
0xfe: {  	v36 =	vld [tilespmem:s0+$0x21E0];
	v4 =	vmul.f32 $8.000000000e+00, v35;
	v10 =	vadd.f32 v10, v3;
	[tilespmem:s0+$0x6190] =	vst v7  }
0xff: {  	v37 =	vld [tilespmem:s0+$0x21F0];
	v54 =	vmul.f32 $8.000000000e+00, v48;
	v11 =	vadd.f32 v11, v2;
	[tilespmem:s0+$0x61A0] =	vst v8  }
0x100: {  	v38 =	vld [tilespmem:s0+$0x2200];
	v57 =	vmul.f32 $8.000000000e+00, v50;
	v4 =	vadd.f32 v4, v1;
	[tilespmem:s0+$0x61B0] =	vst v10  }
0x101: {  	v39 =	vld [tilespmem:s0+$0x2210];
	v59 =	vmul.f32 $8.000000000e+00, v51;
	v56 =	vadd.f32 v54, v0;
	[tilespmem:s0+$0x61C0] =	vst v11  }
0x102: {  	v40 =	vld [tilespmem:s0+$0x2220];
	v61 =	vmul.f32 $8.000000000e+00, v52;
	v60 =	vadd.f32 v57, v2;
	[tilespmem:s0+$0x61D0] =	vst v4  }
0x103: {  	v41 =	vld [tilespmem:s0+$0x2230];
	v5 =	vmul.f32 $8.000000000e+00, v36;
	v62 =	vadd.f32 v59, v1;
	[tilespmem:s0+$0x62A0] =	vst v56  }
0x104: {  	v42 =	vld [tilespmem:s0+$0x2240];
	v6 =	vmul.f32 $8.000000000e+00, v37;
	v63 =	vadd.f32 v61, v0;
	[tilespmem:s0+$0x62C0] =	vst v60  }
0x105: {  	v43 =	vld [tilespmem:s0+$0x2250];
	v5 =	vadd.f32 v5, v0;
	v9 =	vmul.f32 $8.000000000e+00, v38;
	[tilespmem:s0+$0x62D0] =	vst v62  }
0x106: {  	v44 =	vld [tilespmem:s0+$0x2260];
	v6 =	vadd.f32 v6, v3;
	v12 =	vmul.f32 $8.000000000e+00, v39;
	[tilespmem:s0+$0x62E0] =	vst v63  }
0x107: {  	v45 =	vld [tilespmem:s0+$0x2270];
	v7 =	vmul.f32 $8.000000000e+00, v40;
	[tilespmem:s0+$0x61E0] =	vst v5;
	v9 =	vadd.f32 v9, v2  }
0x108: {  	v46 =	vld [tilespmem:s0+$0x2280];
	v8 =	vmul.f32 $8.000000000e+00, v41;
	[tilespmem:s0+$0x61F0] =	vst v6;
	v12 =	vadd.f32 v12, v1  }
0x109: {  	v47 =	vld [tilespmem:s0+$0x2290];
	v10 =	vmul.f32 $8.000000000e+00, v42;
	v7 =	vadd.f32 v7, v0;
	[tilespmem:s0+$0x6200] =	vst v9  }
0x10a: {  	v49 =	vld [tilespmem:s0+$0x22B0];
	v11 =	vmul.f32 $8.000000000e+00, v43;
	v8 =	vadd.f32 v8, v3;
	[tilespmem:s0+$0x6210] =	vst v12  }
0x10b: {  	v4 =	vmul.f32 $8.000000000e+00, v44;
	v10 =	vadd.f32 v10, v2;
	[tilespmem:s0+$0x6220] =	vst v7  }
0x10c: {  	v5 =	vmul.f32 $8.000000000e+00, v45;
	v11 =	vadd.f32 v11, v1;
	[tilespmem:s0+$0x6230] =	vst v8  }
0x10d: {  	v4 =	vadd.f32 v4, v0;
	v6 =	vmul.f32 $8.000000000e+00, v46;
	[tilespmem:s0+$0x6240] =	vst v10  }
0x10e: {  	v5 =	vadd.f32 v5, v3;
	v9 =	vmul.f32 $8.000000000e+00, v47;
	[tilespmem:s0+$0x6250] =	vst v11  }
0x10f: {  	[tilespmem:s0+$0x6260] =	vst v4;
	v53 =	vadd.f32 v6, v2;
	v7 =	vmul.f32 $8.000000000e+00, v49  }
0x110: {  	[tilespmem:s0+$0x6270] =	vst v5;
	v55 =	vadd.f32 v9, v1  }
0x111: {  	s2 =	sadd.s32 @!p0 s10, s29;
	[tilespmem:s0+$0x6280] =	vst v53;
	v58 =	vadd.f32 v7, v3  }
0x112: {  	s2 =	sshrl.u32 @!p0 s2, $0x3;
	[tilespmem:s0+$0x6290] =	vst v55  }
0x113: {  	s29 =	simm.s32 @!p0 $0x80;
	[tilespmem:s0+$0x62B0] =	vst v58;
	s0 =	sadd.s32 @!p0 s1, s2;
	s2 =	simm.s32 @!p0 $0x0  }
0x114: {  	[tilespmem:s29], [sflag:$0x5] =	stream.linear.gather @!p0 [hbm4b:s0+s2], $0x80, $0x38;
	[tilespmem:$0xB300] =	vst v63  }
0x115: {  	s0 =	simm.s32 @!p0 $0x5  }
0x116: {  	_ =	swait.ge @!p0 [sflag:s0], $0x80  }
0x117: {  	[sflag:s0] =	ssyncset.done @!p0 $0x0  }
0x118: {  	s28 =	sadd.s32 $0x1, s28;
	[sflag:s0] =	ssyncadd.s32 @!p0 $0xFFFFFF80;
	s0 =	simm.s32 @!p0 $0x2100  }
0x119: {  	[tilespmem:s0], [sflag:$0x2] =	stream.indirect.gather @!p0 [hbm4b:s7+s29], $0x40, s29, s29, $0xb8;
	[tilespmem:$0xB300] =	vst v63  }
0x11a: {  	p0 =	sne.s32 s28, $0x64  }
.Ltmp2:
0x11b: {  	_ = 	snop;
	(pc) =	sbr.rel @p0 .LBB2_2-.Ltmp2, $4  }
0x11c: {  	s31 =	sor.u32 s11, s30  }
0x11d: {  	s0 =	sshrl.u32 s31, $0x3  }
0x11e: {  	s0 =	sadd.s32 s3, s0  }
0x11f: {  	[hbm4b:s0+s19] =	stream.strided.scatter [tilespmem:s23], [sflag:$0x4], $0x2000, s20, s19, $0x38;
	[tilespmem:$0xB300] =	vst v63  }
0x120: {  	s26 =	sadd.s32 $0x1, s26  }
0x121: {  	_ =	swait.ge [sflag:s24], $0x2000;
	p0 =	sne.s32 s26, s12  }
.Ltmp3:
0x122: {  	[sflag:s24] =	ssyncset.done $0x0;
	(pc) =	sbr.rel @p0 .LBB2_1-.Ltmp3, $4  }
0x123: {  	[sflag:s24] =	ssyncadd.s32 $0xFFFFE000  }
0x124: {  	_ =	swait.ge [sflag:s25], $0x2000  }
0x125: {  	[sflag:s25] =	ssyncset.done $0x0  }
0x126: {  	[sflag:s25] =	ssyncadd.s32 $0xFFFFE000  }
0x127: {  	_ =	sfence.sel $0x180000  }
0x128: {  	[bflag:$0x0] =	sbarrier.arrive $0xFFFF  }
0x129: {  	_ =	strace $0x90000047  }
0x12a: {  	s0 =	stileid.u32;
	[bflag:$0x2] =	sbarrier.arrive $0xFFFF  }
0x12b: {  	p0 =	sne.s32 s0, $0x0;
	s0 =	rddreg [dreg:$0x3]  }
0x12c: {  	s0 =	sadd.s32 @!p0 $0x100000, s0  }
0x12d: {  	[sflag:s0] =	ssyncadd.tile.s32 @!p0 $0x1;
	_ =	shalt  }
.Lfunc_end2:
_tile_overlayer_lowered:
.L_overlay_start_2:
0x12e: {  	(tag) =	ssettag $0x2  }
0x12f: {  	s0 =	rddreg [dreg:$0x0];
	s2 =	stileid.u32  }
0x130: {  	s1 =	rddreg [dreg:$0x1];
	p0 =	sne.s32 s2, $0x0  }
0x131: {  	s3 =	rddreg [dreg:$0x2];
	[bflag:$0x3] =	sbarrier.arrive $0xFFFF;
	s2 =	simm.s32 @!p0 $0x1C05  }
0x132: {  	[timem:s3], [sflag:s2] =	dma.local @!p0 [hbm:s0], s1  }
0x133: {  	s0 =	simm.s32 @!p0 $0x5  }
0x134: {  	_ =	swait.ge @!p0 [sflag:s0], s1  }
0x135: {  	s1 =	ssub.s32 @!p0 $0x0, s1;
	[sflag:s0] =	ssyncset.done @!p0 $0x0  }
0x136: {  	[sflag:s0] =	ssyncadd.s32 @!p0 s1  }
0x137: {  	[bflag:$0x3] =	sbarrier.arrive $0xFFFF  }
0x138: {  	_ =	shalt  }

// kernel: sparse-core-data-format-call.cloned.1.call-start
scs
called_computation_lowered:
.L_overlay_start_0:
0x0: {  	s2 =	sld [smem:$0x3FD9]  }
0x1: {  	s3 =	sld [smem:$0x3FFE];
	_ =	sdelay $0x1  }
0x2: {  	s1 =	srdreg.scid  }
0x3: {  	s0 =	sand.u32 $0x1, s1  }
0x4: {  	s18 =	sshll.u32 s0, $0xA;
	s2 =	sadd.s32 s3, s2  }
0x5: {  	s2 =	sadd.s32 s2, s18  }
0x6: {  	[smem:$0x3FC5] =	sst s2  }
0x7: {  	_ = 	snop  }
0x8: {  	s2 =	sld [smem:$0x3FD0];
	(tm) =	ssettm $0x1  }
0x9: {  	s19 =	sld [smem:$0x3FFB];
	_ =	sdelay $0x3  }
0xa: {  	_ =	strace s19  }
0xb: {  	s3 =	sld [smem:$0x3FFC];
	_ =	sdelay $0x3  }
0xc: {  	_ =	strace s3  }
0xd: {  	s3 =	sld [smem:$0x3FFD];
	_ =	sdelay $0x3  }
0xe: {  	_ =	strace s3  }
0xf: {  	_ =	strace $0x8FFFFFFF  }
0x10: {  	s20 =	sld [smem:$0x3FDB];
	_ =	sdelay $0x1  }
0x11: {  	s4 =	simm.s32 $_scs_section_size  }
0x12: {  	s5 =	simm.s32 $_size__tile_overlayer_lowered;
	s6 =	simm.s32 $_tile_overlayer_lowered  }
0x13: {  	s23 =	simm.s32 $0x1BFF;
	s22 =	sshll.u32 s6, $0x1;
	s3 =	sadd.s32 s4, s20  }
0x14: {  	s7 =	simm.s32 $0x0;
	s21 =	sshll.u32 s5, $0x1;
	s5 =	sadd.s32 s22, s3  }
0x15: {  	[timem:s7], [sflag:s23] =	dma.local [hbm:s5], s21  }
0x16: {  	_ =	swait.ge [sflag:s23], s21  }
0x17: {  	s4 =	ssub.s32 $0x0, s21;
	[sflag:s23] =	ssyncset.done $0x0  }
0x18: {  	[sflag:s23] =	ssyncadd.s32 s4;
	_ =	sdelay $0x1  }
0x19: {  	s24 =	simm.s32 $0x1B8B  }
0x1a: {  	_ =	swait.ge [sflag:s24], $0x1  }
0x1b: {  	[sflag:s24] =	ssyncset.done $0x0  }
0x1c: {  	s26 =	simm.s32 $0x1B8E;
	s25 =	sld [smem:$0x3FFE];
	[sflag:s24] =	ssyncadd.s32 $0xFFFFFFFF  }
0x1d: {  	s27 =	simm.s32 $execute0_lowered;
	[smem:$0x3FD2] =	sst s26  }
0x1e: {  	s5 =	sshll.u32 s27, $0x1;
	_ =	strace $0x80000049;
	[dreg:$0x1] =	wrdreg $0xFFFFFFFF  }
0x1f: {  	s28 =	simm.s32 $_size_execute0_lowered;
	s3 =	sadd.s32 s3, s5;
	[dreg:$0x0] =	wrdreg $0x0  }
0x20: {  	s5 =	sshll.u32 s28, $0x1;
	[dreg:$0x2] =	wrdreg s3  }
0x21: {  	[dreg:$0x3] =	wrdreg s5  }
0x22: {  	[dreg:$0x4] =	wrdreg $0xC0  }
0x23: {  	_ =	task [dreg:s7], $0x5FFFF  }
0x24: {  	[dreg:$0x1] =	wrdreg $0xFFFFFFFF  }
0x25: {  	[dreg:$0x0] =	wrdreg $0x60  }
0x26: {  	[dreg:$0x2] =	wrdreg s25  }
0x27: {  	[dreg:$0x3] =	wrdreg s2  }
0x28: {  	[dreg:$0x4] =	wrdreg $0x9  }
0x29: {  	_ =	task.clear_ibuf [dreg:s7], $0x5FFFF;
	_ =	strace $0x90000049  }
0x2a: {  	s29 =	simm.s32 $0x9;
	_ =	strace $0x8000004B  }
0x2b: {  	_ =	swait.ge [sflag:s29], $0x1  }
0x2c: {  	[sflag:s29] =	ssyncadd.s32 $0xFFFFFFFF  }
0x2d: {  	_ =	strace $0x9000004B  }
0x2e: {  	_ =	sfence  }
0x2f: {  	s30 =	sld [smem:$0x0];
	_ =	sdelay $0x2  }
0x30: {  	s31 =	sshll.u32 s1, $0xD;
	s1 =	sshrl.u32 s1, $0x2  }
0x31: {  	s3 =	sand.u32 $0x4000, s31;
	s1 =	sadd.s32 s1, s30  }
0x32: {  	s0 =	sor.u32 s3, s0;
	s1 =	sshll.u32 s1, $0x11  }
0x33: {  	s0 =	sor.u32 s1, s0  }
0x34: {  	s0 =	sadd.s32 $0x8F2B, s0  }
0x35: {  	[sflag:s0] =	ssyncadd.remote.s32 $0x1  }
0x36: {  	_ =	sfence.sel $0xFFFF  }
0x37: {  	[dreg:$0x0] =	wrdreg $0xFFFFFFFF;
	(pc) =	sbr.abs _section_cstart, $3  }
0x38: {  	[dreg:$0x1] =	wrdreg $0xFFFFFFFF  }
0x39: {  	_ =	task.clear_ibuf [dreg:s7], $0x2FFFF;
	_ =	strace $0x9FFFFFFF  }
0x3a: {  	(tm) =	ssettm $0x7FFFFFFF  }
0x3b: {  	_ =	shalt  }
tec
execute0_lowered:
.L_overlay_start_1:
0x0: {  	(tag) =	ssettag $0x1  }
0x1: {  	s0 =	srdreg.scid  }
0x2: {  	s1 =	sshll.u32 s0, $0x4  }
0x3: {  	s0 =	stileid.u32;
	s1 =	sand.u32 $0x10, s1  }
0x4: {  	s1 =	sor.u32 s0, s1  }
0x5: {  	s6 =	rddreg [dreg:$0x0];
	s4 =	simm.s32 $0x1;
	s2 =	sshll.u32 s1, $0x7  }
0x6: {  	s7 =	simm.s32 $0x2;
	s12 =	simm.s32 $0x0;
	s1 =	ssub.s32 $0x1000, s2  }
0x7: {  	s8 =	simm.s32 $0x8000;
	s13 =	simm.s32 $0x0;
	s3 =	sand.u32 $0xF80, s1  }
0x8: {  	s9 =	simm.s32 $0x0;
	s5 =	sshrl.u32 s1, $0xC;
	p0 =	sne.s32 s3, $0x0  }
.Ltmp0:
0x9: {  	s1 =	rddreg [dreg:$0x2];
	s4 =	simm.s32 @!p0 $0x0;
	(pc) =	sbr.rel .LBB1_1-.Ltmp0, $4  }
0xa: {  	s11 =	simm.s32 $0x0;
	s3 =	rddreg [dreg:$0x1];
	s5 =	sadd.s32 s4, s5  }
0xb: {  	_ =	strace $0x8000004A;
	s4 =	simm.s32 $0x1;
	s5 =	smul.u32 $0xC8, s5  }
0xc: {  	s6 =	sadd.s32 $0xA00, s6;
	s10 =	smov.u32 s2;
	[sflag:s4] =	ssyncpa.u1 $0x0  }
0xd: {  	p0 =	por $0x0, $0x0;
	[sflag:s7] =	ssyncpa.u1 $0x0;
	s7 =	sor.u32 $0x1, s5  }
.LBB1_4:
0xe: {  	s16 =	sshll.u32 s13, $0x3;
	s17 =	sand.u32 $0x78, s13  }
0xf: {  	s30 =	sand.u32 $0x7E00, s13;
	s12 =	sshll.u32 s12, $0xF;
	s16 =	sand.u32 $0xC00, s16  }
0x10: {  	[tilespmem:s15+$0x810 ss:$0x81] =	vst.msk $0xffff, v2;
	s31 =	sand.u32 $0x7, s13;
	s16 =	sor.u32 s17, s16;
	s17 =	sadd.s32 s3, s30  }
0x11: {  	[tilespmem:s15+$0x1020 ss:$0x81] =	vst.msk $0xffff, v0;
	s13 =	sshll.u32 s31, $0x12;
	s12 =	sadd.s32 s12, s17;
	s16 =	sshrl.u32 s16, $0x3  }
0x12: {  	[tilespmem:s15+$0x0 ss:$0x81] =	vst.msk $0xffff, v1;
	s13 =	sor.u32 $0x400, s13;
	s12 =	sadd.s32 s16, s12  }
0x13: {  	[hbm4b:s12+s13] =	stream.strided.scatter [tilespmem:s14], [sflag:$0x2], $0x2000, s8, s13, $0x20;
	[tilespmem:$0x8080] =	vst v63  }
.LBB1_5:
0x14: {  	s14 =	sadd.s32 $0x1, s9  }
0x15: {  	s12 =	sadd.s32 $0x1000, s10;
	s16 =	smov.u32 s10;
	p2 =	sgt.s32 s14, $0xC7  }
0x16: {  	s16 =	smov.u32 @p2 s12  }
0x17: {  	s14 =	simm.s32 @p2 $0x0;
	p2 =	sgt.s32 s16, $0xFFF  }
0x18: {  	s16 =	smov.u32 @p2 s2;
	p2 =	sne.s32 s11, s7  }
.Ltmp1:
0x19: {  	p1 =	slt.u32 s11, $0x2;
	(pc) =	sbr.rel @!p2 .LBB1_6-.Ltmp1, $4  }
0x1a: {  	s15 =	simm.s32 @!p1 $0x2  }
0x1b: {  	s13 =	smov.u32 s10;
	p0 =	por !p0, !p0;
	_ =	swait.ge @!p1 [sflag:s15], $0x2000  }
0x1c: {  	s12 =	smov.u32 s9;
	[sflag:s15] =	ssyncset.done @!p1 $0x0;
	s9 =	smov.u32 s14  }
0x1d: {  	s11 =	sadd.s32 $0x1, s11;
	[sflag:s15] =	ssyncadd.s32 @!p1 $0xFFFFE000;
	s10 =	smov.u32 s16  }
.LBB1_1:
0x1e: {  	p1 =	sge.u32 s11, s5  }
0x1f: {  	s14 =	sand.u32 @!p1 $0x1FFFFFF, s9  }
0x20: {  	s15 =	smulhi.u32 @!p1 $0x147AE15, s14;
	_ =	sdelay $0x1  }
0x21: {  	s15 =	smul.u32 @!p1 $0xC8, s15  }
0x22: {  	s16 =	sxor.u32 @!p1 $0xFFFFFFFF, s11;
	s17 =	smul.u32 @!p1 $0xC80, s10  }
0x23: {  	s31 =	sadd.s32 $0xFFFFFFFF, s11;
	s16 =	sshll.u32 @!p1 s16, $0xD;
	s14 =	ssub.s32 @!p1 s14, s15  }
0x24: {  	s15 =	sand.u32 @!p1 $0x2000, s16;
	s16 =	sadd.s32 @!p1 s6, s17;
	s14 =	sshll.u32 @!p1 s14, $0x4  }
0x25: {  	s17 =	simm.s32 @!p1 $0x6400;
	s14 =	sadd.s32 @!p1 s14, s16;
	s16 =	simm.s32 @!p1 $0x40  }
0x26: {  	[tilespmem:s15], [sflag:$0x1] =	stream.strided.gather @!p1 [hbm4b:s14+s16], $0x2000, s17, s16, $0x38;
	[tilespmem:$0x8080] =	vst v63  }
0x27: {  	p1 =	sge.u32 s31, s5  }
.Ltmp2:
0x28: {  	_ = 	snop;
	(pc) =	sbr.rel @p1 .LBB1_5-.Ltmp2, $1  }
0x29: {  	_ =	sdelay $0x3  }
0x2a: {  	s14 =	simm.s32 $0x1  }
0x2b: {  	_ =	swait.ge [sflag:s4], $0x2000;
	s14 =	simm.s32 @!p0 $0x0  }
0x2c: {  	[sflag:s4] =	ssyncset.done $0x0;
	s15 =	sshll.u32 s14, $0xD  }
0x2d: {  	[sflag:s4] =	ssyncadd.s32 $0xFFFFE000;
	s18 =	sor.u32 $0x20, s15  }
0x2e: {  	s14 =	smul.u32 $0x8100, s14;
	v3 =	vld [tilespmem:s18+$0x10]  }
0x2f: {  	s30 =	sand.u32 $0x1, s11;
	v2 =	vld [tilespmem:s18+$0xFFFFFFF0]  }
0x30: {  	s15 =	smul.u32 $0x8100, s30;
	s14 =	sshrl.u32 s14, $0x2;
	v0 =	vld [tilespmem:s18+$0x0]  }
0x31: {  	v1 =	vld [tilespmem:s18+$0xFFFFFFE0];
	s16 =	sor.u32 $0x4000, s14  }
0x32: {  	s31 =	sshrl.u32 s15, $0x2;
	s15 =	sadd.s32 $0x0, s16  }
0x33: {  	s17 =	simm.s32 $0x4;
	s18 =	sadd.s32 $0x40, s18;
	s14 =	sor.u32 $0x4000, s31;
	[tilespmem:s15+$0x1830 ss:$0x81] =	vst.msk $0xffff, v3  }
.LBB1_3:
0x34: {  	v3 =	vld [tilespmem:s18+$0x10];
	p1 =	sne.s32 s17, $0x1FC;
	[tilespmem:s15+$0x810 ss:$0x81] =	vst.msk $0xffff, v2;
	s19 =	smov.u32 s17;
	s17 =	sadd.s32 $0x4, s17  }
.Ltmp3:
0x35: {  	v2 =	vld [tilespmem:s18+$0xFFFFFFF0];
	[tilespmem:s15+$0x1020 ss:$0x81] =	vst.msk $0xffff, v0;
	(pc) =	sbr.rel @p1 .LBB1_3-.Ltmp3, $4  }
0x36: {  	v0 =	vld [tilespmem:s18+$0x0];
	[tilespmem:s15+$0x0 ss:$0x81] =	vst.msk $0xffff, v1  }
0x37: {  	s15 =	sshra.s32 s19, $0x2;
	v1 =	vld [tilespmem:s18+$0xFFFFFFE0]  }
0x38: {  	s15 =	sadd.s32 s15, s16  }
0x39: {  	s18 =	sadd.s32 $0x40, s18;
	[tilespmem:s15+$0x1830 ss:$0x81] =	vst.msk $0xffff, v3  }
.Ltmp4:
0x3a: {  	_ = 	snop;
	(pc) =	sbr.rel .LBB1_4-.Ltmp4, $1  }
0x3b: {  	_ =	sdelay $0x3  }
.LBB1_6:
0x3c: {  	_ =	sfence.sel $0x180000  }
0x3d: {  	s2 =	simm.s32 $0x1;
	[bflag:$0x0] =	sbarrier.arrive $0xFFFF  }
0x3e: {  	s31 =	simm.s32 $0x2;
	[sflag:s2] =	ssyncpa.u1 $0x1  }
0x3f: {  	[sflag:s31] =	ssyncpa.u1 $0x1  }
0x40: {  	p0 =	sne.s32 s0, $0x0;
	_ =	strace $0x9000004A  }
0x41: {  	s0 =	sadd.s32 @!p0 $0x100000, s1;
	[bflag:$0x2] =	sbarrier.arrive $0xFFFF  }
0x42: {  	[sflag:s0] =	ssyncadd.tile.s32 @!p0 $0x1;
	_ =	shalt  }
.Lfunc_end1:
_tile_overlayer_lowered:
.L_overlay_start_2:
0x43: {  	(tag) =	ssettag $0x2  }
0x44: {  	s0 =	rddreg [dreg:$0x0];
	s2 =	stileid.u32  }
0x45: {  	s1 =	rddreg [dreg:$0x1];
	p0 =	sne.s32 s2, $0x0  }
0x46: {  	s3 =	rddreg [dreg:$0x2];
	[bflag:$0x3] =	sbarrier.arrive $0xFFFF;
	s2 =	simm.s32 @!p0 $0x1C01  }
0x47: {  	[timem:s3], [sflag:s2] =	dma.local @!p0 [hbm:s0], s1  }
0x48: {  	s0 =	simm.s32 @!p0 $0x1  }
0x49: {  	_ =	swait.ge @!p0 [sflag:s0], s1  }
0x4a: {  	s1 =	ssub.s32 @!p0 $0x0, s1;
	[sflag:s0] =	ssyncset.done @!p0 $0x0  }
0x4b: {  	[sflag:s0] =	ssyncadd.s32 @!p0 s1  }
0x4c: {  	[bflag:$0x3] =	sbarrier.arrive $0xFFFF  }
0x4d: {  	_ =	shalt  }

</sc_bundles>
